<compile_context>
chip_gen: v7x
topology: tpu7x:2x2x1
jax: 0.10.2.dev20260603
libtpu: 0.0.44.dev20260713+nightly
codegen_flags: <defaults>
</compile_context>

<pallas_src>
import functools

import jax
import jax.numpy as jnp
import numpy as np
from jax import lax
from jax.experimental import pallas as pl
from jax.experimental.pallas import tpu as pltpu
from jax.experimental.pallas import tpu_sc as plsc

_MASKRATIO = 0.75
_PH = 16
_PW = 16
_C = 3
_H = 4096
_W = 4096
_NPH = _H // _PH
_NPW = _W // _PW

_L = 16
_NCHUNK = _C * _H * _W // _L
_ROWS = _C * _H
_SR = 8
_SW = 2048
_S = _SR * _SW // _L
_XSPLIT = _W // _SW
_NSEG = _NCHUNK // _S
_NC = 2
_NS = 16
_NW = _NC * _NS
_SEG_PER_W = _NSEG // _NW
_NBUF = 2
_NROUND = _SEG_PER_W // _NBUF


def _tf2x32(k1, k2, x1, x2):
    R0 = (13, 15, 26, 6)
    R1 = (17, 29, 16, 24)
    k1 = np.uint32(k1)
    k2 = np.uint32(k2)
    ks = (k1, k2, np.uint32(k1 ^ k2 ^ np.uint32(0x1BD11BDA)))
    x = [(x1 + ks[0]).astype(np.uint32), (x2 + ks[1]).astype(np.uint32)]
    for i in range(5):
        for r in R0 if i % 2 == 0 else R1:
            x[0] = (x[0] + x[1]).astype(np.uint32)
            x[1] = ((x[1] << np.uint32(r)) | (x[1] >> np.uint32(32 - r))).astype(
                np.uint32
            )
            x[1] = x[0] ^ x[1]
        x[0] = (x[0] + ks[(i + 1) % 3]).astype(np.uint32)
        x[1] = (x[1] + ks[(i + 2) % 3] + np.uint32(i + 1)).astype(np.uint32)
    return x[0], x[1]


def _random_bits(k1, k2, n):
    lo = np.arange(n, dtype=np.uint32)
    hi = np.zeros(n, dtype=np.uint32)
    b1, b2 = _tf2x32(k1, k2, hi, lo)
    return b1 ^ b2


def _split2(k1, k2):
    b1, b2 = _tf2x32(k1, k2, np.zeros(2, np.uint32), np.arange(2, dtype=np.uint32))
    return (b1[0], b2[0]), (b1[1], b2[1])


def _erfinv_f32(x):
    x = x.astype(np.float32)
    w = (-np.log1p((-x * x).astype(np.float32))).astype(np.float32)
    lt = w < np.float32(5.0)
    wa = (w - np.float32(2.5)).astype(np.float32)
    pa = np.float32(2.81022636e-08)
    for c in (3.43273939e-07, -3.5233877e-06, -4.39150654e-06, 0.00021858087,
              -0.00125372503, -0.00417768164, 0.246640727, 1.50140941):
        pa = (np.float32(c) + pa * wa).astype(np.float32)
    wb = (np.sqrt(np.maximum(w, np.float32(5.0)), dtype=np.float32)
          - np.float32(3.0)).astype(np.float32)
    pb = np.float32(-0.000200214257)
    for c in (0.000100950558, 0.00134934322, -0.00367342844, 0.00573950773,
              -0.0076224613, 0.00943887047, 1.00167406, 2.83297682):
        pb = (np.float32(c) + pb * wb).astype(np.float32)
    return (np.where(lt, pa, pb) * x).astype(np.float32)


def _normal_f32(k1, k2, n):
    bits = _random_bits(k1, k2, n)
    fl = ((bits >> np.uint32(9)) | np.uint32(0x3F800000)).view(np.float32)
    fl = (fl - np.float32(1.0)).astype(np.float32)
    lo = np.nextafter(np.float32(-1.0), np.float32(0.0))
    hi = np.float32(1.0)
    u = np.maximum(lo, (fl * (hi - lo) + lo).astype(np.float32))
    return (np.float32(np.sqrt(2.0)) * _erfinv_f32(u)).astype(np.float32)


@functools.cache
def _consts():
    (m1, m2), (n1, n2) = _split2(np.uint32(0), np.uint32(42))
    (a1, a2), (b1, b2) = _split2(m1, m2)
    higher = _random_bits(a1, a2, _NPH * _NPW)
    lower = _random_bits(b1, b2, _NPH * _NPW)
    span = np.uint32(10)
    mult = np.uint32(((2 ** 16) % 10) ** 2 % 10)
    draws = 1 + (((higher % span) * mult + (lower % span)) % span).astype(np.int32)
    mask = draws < (10.0 * _MASKRATIO)
    noise = _normal_f32(n1, n2, _NPH * _NPW * _PH * _PW * _C).reshape(
        _NPH * _NPW, _PH * _PW * _C
    )
    nz = (
        noise.reshape(_NPH, _NPW, _PH, _PW, _C)
        .transpose(4, 0, 2, 1, 3)
        .reshape(_C, _H, _W)
    )
    g = np.arange(_NSEG, dtype=np.int64)[:, None]
    c = np.arange(_S, dtype=np.int64)[None, :]
    row = (g // _XSPLIT) * _SR + c // (_SW // _L)
    col = (g % _XSPLIT) * _SW + (c % (_SW // _L)) * _L
    y = row % _H
    msel = mask[(y // _PH) * _NPW + (col // _PW)].astype(np.int32)
    return nz, msel.reshape(-1)


def _sc_body(img_hbm, nz_hbm, src_hbm, out_hbm, *scratch):
    wid = lax.axis_index("s") * _NC + lax.axis_index("c")
    iota16 = lax.iota(jnp.int32, _L)
    bufs = scratch[0:_NBUF]
    obufs = scratch[_NBUF:2 * _NBUF]
    sbufs = scratch[2 * _NBUF:3 * _NBUF]
    lsems = scratch[3 * _NBUF:4 * _NBUF]
    ssems = scratch[4 * _NBUF:5 * _NBUF]
    seg0 = wid * _SEG_PER_W

    def _rowcol(s):
        g = seg0 + s
        row = (g // _XSPLIT) * _SR
        return row // _H, row % _H, (g % _XSPLIT) * _SW

    def _load_descs(p, s):
        ch, r0, c0 = _rowcol(s)
        sbase = (seg0 + s) * _S
        return (
            (img_hbm.at[ch, pl.ds(r0, _SR), pl.ds(c0, _SW)], bufs[p].at[0]),
            (nz_hbm.at[ch, pl.ds(r0, _SR), pl.ds(c0, _SW)], bufs[p].at[1]),
            (src_hbm.at[pl.ds(sbase, _S)], sbufs[p]),
        )

    def start_loads(p, s):
        for src, dst in _load_descs(p, s):
            pltpu.async_copy(src, dst, lsems[p])

    def wait_loads(p, s):
        for src, dst in _load_descs(p, s):
            pltpu.make_async_copy(src, dst, lsems[p]).wait()

    def _store_desc(p, s):
        ch, r0, c0 = _rowcol(s)
        return obufs[p], out_hbm.at[ch, pl.ds(r0, _SR), pl.ds(c0, _SW)]

    def start_store(p, s):
        src, dst = _store_desc(p, s)
        pltpu.async_copy(src, dst, ssems[p])

    def wait_store(p, s):
        src, dst = _store_desc(p, s)
        pltpu.make_async_copy(src, dst, ssems[p]).wait()

    def merge(p):
        @plsc.parallel_loop(0, _S // _L)
        def grp(t):
            mb = sbufs[p][pl.ds(t * _L, _L)]
            ci = t * _L + iota16
            r = lax.shift_right_logical(ci, (_SW // _L).bit_length() - 1)
            x0 = lax.shift_left(ci & ((_SW // _L) - 1), 4)
            for l in range(_L):
                xl = x0 + l
                tv = plsc.load_gather(bufs[p], [mb, r, xl])
                plsc.store_scatter(obufs[p], [r, xl], tv)

    for p in range(_NBUF):
        start_loads(p, p)

    def rnd(it, carry):
        for p in range(_NBUF):
            s = it * _NBUF + p
            wait_loads(p, s)

            @pl.when(it > 0)
            def _():
                wait_store(p, s - _NBUF)

            merge(p)
            start_store(p, s)

            @pl.when(it < _NROUND - 1)
            def _():
                start_loads(p, s + _NBUF)

        return carry

    lax.fori_loop(0, _NROUND, rnd, 0, unroll=False)
    for p in range(_NBUF):
        wait_store(p, _SEG_PER_W - _NBUF + p)


@jax.jit
def _run(img):
    nz, srcrel = _consts()
    nz = jnp.asarray(nz)
    srcrel = jnp.asarray(srcrel)
    mesh = plsc.VectorSubcoreMesh(
        core_axis_name="c", subcore_axis_name="s",
        num_cores=_NC, num_subcores=_NS,
    )
    f = pl.kernel(
        _sc_body,
        out_type=jax.ShapeDtypeStruct((_C, _H, _W), jnp.float32),
        mesh=mesh,
        scratch_types=(
            [pltpu.VMEM((2, _SR, _SW), jnp.float32)] * _NBUF
            + [pltpu.VMEM((_SR, _SW), jnp.float32)] * _NBUF
            + [pltpu.VMEM((_S,), jnp.int32)] * _NBUF
            + [pltpu.SemaphoreType.DMA] * (2 * _NBUF)
        ),
        compiler_params=pltpu.CompilerParams(needs_layout_passes=False),
    )
    return f(img, nz, srcrel)


_consts()


def kernel(img):
    return _run(img)

# --- scband reference (transcript-rebuilt; emitter-appended) ---
"""Pipeline reference for scband-mae-74088185856822 (READ-ONLY COPY).

The authoritative reference and input builder live on the scoring server;
editing this copy changes nothing except your own understanding.
"""

import jax, jax.numpy as jnp
import numpy as np

MASKRATIO = 0.75
PATCH_H = 16
PATCH_W = 16


def setup_inputs(seed: int = 0) -> dict:
    key = jax.random.key(seed)
    img = jax.random.normal(key, (3, 4096, 4096), dtype=jnp.float32)
    return {"img": img}


def reference(img):
    c, h, w = img.shape
    nph = h // PATCH_H
    npw = w // PATCH_W
    num_patches = nph * npw
    # patchify: (c,h,w) -> (num_patches, patch_h*patch_w*c)
    x = img.reshape(c, nph, PATCH_H, npw, PATCH_W)
    x = jnp.transpose(x, (1, 3, 2, 4, 0)).reshape(num_patches, -1)
    length = x.shape[1]
    # per-patch random mask: torch does random.randint(1,10) < 10*maskratio per patch
    key = jax.random.key(42)
    k_mask, k_noise = jax.random.split(key)
    draws = jax.random.randint(k_mask, (num_patches,), 1, 11)
    mask = draws < (10.0 * MASKRATIO)
    # masked patches are overwritten with fresh gaussian noise (scatter-overwrite)
    noise = jax.random.normal(k_noise, (num_patches, length), dtype=x.dtype)
    x = jnp.where(mask[:, None], noise, x)
    # un-patchify back to (c,h,w)
    x = x.reshape(nph, npw, PATCH_H, PATCH_W, c)
    x = jnp.transpose(x, (4, 0, 2, 1, 3)).reshape(c, h, w)
    return x

if __name__ == "__main__":
    import jax
    _d = setup_inputs()
    print(jax.jit(kernel)(*tuple(_d.values())))

</pallas_src>

<mosaic_0001>
#map = affine_map<(d0, d1) -> (0, 0, 0)>
#map1 = affine_map<(d0, d1) -> (0)>
module attributes {stable_mosaic.version = 14 : i64} {
  func.func @_sc_body(%arg0: i32, %arg1: i32, %arg2: memref<3x4096x4096xf32, #tpu.memory_space<hbm>>, %arg3: memref<3x4096x4096xf32, #tpu.memory_space<hbm>>, %arg4: memref<3145728xi32, #tpu.memory_space<hbm>>, %arg5: memref<3x4096x4096xf32, #tpu.memory_space<hbm>>, %arg6: memref<2x8x2048xf32, #tpu.memory_space<vmem>>, %arg7: memref<2x8x2048xf32, #tpu.memory_space<vmem>>, %arg8: memref<8x2048xf32, #tpu.memory_space<vmem>>, %arg9: memref<8x2048xf32, #tpu.memory_space<vmem>>, %arg10: memref<1024xi32, #tpu.memory_space<vmem>>, %arg11: memref<1024xi32, #tpu.memory_space<vmem>>, %arg12: memref<!tpu.dma_semaphore, #tpu.memory_space<semaphore_mem>>, %arg13: memref<!tpu.dma_semaphore, #tpu.memory_space<semaphore_mem>>, %arg14: memref<!tpu.dma_semaphore, #tpu.memory_space<semaphore_mem>>, %arg15: memref<!tpu.dma_semaphore, #tpu.memory_space<semaphore_mem>>) attributes {dimension_semantics = [#tpu.dimension_semantics<core_parallel>, #tpu.dimension_semantics<subcore_parallel>], iteration_bounds = array<i64: 2, 16>, scalar_prefetch = 0 : i64, scratch_operands = 10 : i64, tpu.core_type = #tpu.core_type<sc_vector_subcore>, window_params = [{transform_indices = #map}, {transform_indices = #map}, {transform_indices = #map1}, {transform_indices = #map}]} {
    %mul3A = arith.constant 2 : i32
    %mul3A_0 = arith.muli %arg1, %mul3A : i32
    %add3A = arith.addi %mul3A_0, %arg0 : i32
    %iota3A = tpu.iota {dimensions = array<i32: 0>} : vector<16xi32>
    %mul3A_1 = arith.constant 96 : i32
    %mul3A_2 = arith.muli %add3A, %mul3A_1 : i32
    %add3A_3 = arith.constant 0 : i32
    %add3A_4 = arith.addi %mul3A_2, %add3A_3 : i32
    %jit3A = arith.constant 2 : i32
    %div3A = arith.divsi %add3A_4, %jit3A : i32
    %sign3A = arith.constant 0 : i32
    %sign3A_5 = arith.cmpi sgt, %add3A_4, %sign3A : i32
    %sign3A_6 = arith.extui %sign3A_5 : i1 to i32
    %sign3A_7 = arith.constant 0 : i32
    %sign3A_8 = arith.cmpi slt, %add3A_4, %sign3A_7 : i32
    %sign3A_9 = arith.extui %sign3A_8 : i1 to i32
    %sign3A_10 = arith.subi %sign3A_6, %sign3A_9 : i32
    %sign3A_11 = arith.constant 0 : i32
    %sign3A_12 = arith.cmpi sgt, %jit3A, %sign3A_11 : i32
    %sign3A_13 = arith.extui %sign3A_12 : i1 to i32
    %sign3A_14 = arith.constant 0 : i32
    %sign3A_15 = arith.cmpi slt, %jit3A, %sign3A_14 : i32
    %sign3A_16 = arith.extui %sign3A_15 : i1 to i32
    %sign3A_17 = arith.subi %sign3A_13, %sign3A_16 : i32
    %ne3A = arith.cmpi ne, %sign3A_10, %sign3A_17 : i32
    %rem3A = arith.remsi %add3A_4, %jit3A : i32
    %ne3A_18 = arith.constant 0 : i32
    %ne3A_19 = arith.cmpi ne, %rem3A, %ne3A_18 : i32
    %and3A = arith.andi %ne3A, %ne3A_19 : i1
    %sub3A = arith.constant 1 : i32
    %sub3A_20 = arith.subi %div3A, %sub3A : i32
    %select_n3A = arith.select %and3A, %sub3A_20, %div3A : i32
    %mul3A_21 = arith.constant 8 : i32
    %mul3A_22 = arith.muli %select_n3A, %mul3A_21 : i32
    %jit3A_23 = arith.constant 4096 : i32
    %div3A_24 = arith.divsi %mul3A_22, %jit3A_23 : i32
    %sign3A_25 = arith.constant 0 : i32
    %sign3A_26 = arith.cmpi sgt, %mul3A_22, %sign3A_25 : i32
    %sign3A_27 = arith.extui %sign3A_26 : i1 to i32
    %sign3A_28 = arith.constant 0 : i32
    %sign3A_29 = arith.cmpi slt, %mul3A_22, %sign3A_28 : i32
    %sign3A_30 = arith.extui %sign3A_29 : i1 to i32
    %sign3A_31 = arith.subi %sign3A_27, %sign3A_30 : i32
    %sign3A_32 = arith.constant 0 : i32
    %sign3A_33 = arith.cmpi sgt, %jit3A_23, %sign3A_32 : i32
    %sign3A_34 = arith.extui %sign3A_33 : i1 to i32
    %sign3A_35 = arith.constant 0 : i32
    %sign3A_36 = arith.cmpi slt, %jit3A_23, %sign3A_35 : i32
    %sign3A_37 = arith.extui %sign3A_36 : i1 to i32
    %sign3A_38 = arith.subi %sign3A_34, %sign3A_37 : i32
    %ne3A_39 = arith.cmpi ne, %sign3A_31, %sign3A_38 : i32
    %rem3A_40 = arith.remsi %mul3A_22, %jit3A_23 : i32
    %ne3A_41 = arith.constant 0 : i32
    %ne3A_42 = arith.cmpi ne, %rem3A_40, %ne3A_41 : i32
    %and3A_43 = arith.andi %ne3A_39, %ne3A_42 : i1
    %sub3A_44 = arith.constant 1 : i32
    %sub3A_45 = arith.subi %div3A_24, %sub3A_44 : i32
    %select_n3A_46 = arith.select %and3A_43, %sub3A_45, %div3A_24 : i32
    %jit3A_47 = arith.constant 4096 : i32
    %eq3A = arith.constant 0 : i32
    %eq3A_48 = arith.cmpi eq, %jit3A_47, %eq3A : i32
    %jit3A_49 = arith.constant 1 : i32
    %select_n3A_50 = arith.select %eq3A_48, %jit3A_49, %jit3A_47 : i32
    %rem3A_51 = arith.remsi %mul3A_22, %select_n3A_50 : i32
    %ne3A_52 = arith.constant 0 : i32
    %ne3A_53 = arith.cmpi ne, %rem3A_51, %ne3A_52 : i32
    %lt3A = arith.constant 0 : i32
    %lt3A_54 = arith.cmpi slt, %rem3A_51, %lt3A : i32
    %lt3A_55 = arith.constant 0 : i32
    %lt3A_56 = arith.cmpi slt, %select_n3A_50, %lt3A_55 : i32
    %ne3A_57 = arith.xori %lt3A_54, %lt3A_56 : i1
    %and3A_58 = arith.andi %ne3A_57, %ne3A_53 : i1
    %add3A_59 = arith.addi %rem3A_51, %select_n3A_50 : i32
    %select_n3A_60 = arith.select %and3A_58, %add3A_59, %rem3A_51 : i32
    %jit3A_61 = arith.constant 2 : i32
    %eq3A_62 = arith.constant 0 : i32
    %eq3A_63 = arith.cmpi eq, %jit3A_61, %eq3A_62 : i32
    %jit3A_64 = arith.constant 1 : i32
    %select_n3A_65 = arith.select %eq3A_63, %jit3A_64, %jit3A_61 : i32
    %rem3A_66 = arith.remsi %add3A_4, %select_n3A_65 : i32
    %ne3A_67 = arith.constant 0 : i32
    %ne3A_68 = arith.cmpi ne, %rem3A_66, %ne3A_67 : i32
    %lt3A_69 = arith.constant 0 : i32
    %lt3A_70 = arith.cmpi slt, %rem3A_66, %lt3A_69 : i32
    %lt3A_71 = arith.constant 0 : i32
    %lt3A_72 = arith.cmpi slt, %select_n3A_65, %lt3A_71 : i32
    %ne3A_73 = arith.xori %lt3A_70, %lt3A_72 : i1
    %and3A_74 = arith.andi %ne3A_73, %ne3A_68 : i1
    %add3A_75 = arith.addi %rem3A_66, %select_n3A_65 : i32
    %select_n3A_76 = arith.select %and3A_74, %add3A_75, %rem3A_66 : i32
    %mul3A_77 = arith.constant 2048 : i32
    %mul3A_78 = arith.muli %select_n3A_76, %mul3A_77 : i32
    %add3A_79 = arith.constant 0 : i32
    %add3A_80 = arith.addi %mul3A_2, %add3A_79 : i32
    %mul3A_81 = arith.constant 1024 : i32
    %mul3A_82 = arith.muli %add3A_80, %mul3A_81 : i32
    %dma_start3A = arith.constant 0 : i32
    %dma_start3A_83 = arith.constant 0 : i32
    %dma_start3A_84 = arith.constant 0 : i32
    %dma_start3A_85 = tpu.memref_slice %arg6[%dma_start3A, %dma_start3A_83, %dma_start3A_84] : memref<2x8x2048xf32, #tpu.memory_space<vmem>> -> memref<1x8x2048xf32, #tpu.memory_space<vmem>>
    %dma_start3A_86 = tpu.memref_squeeze %dma_start3A_85 : memref<1x8x2048xf32, #tpu.memory_space<vmem>> -> memref<8x2048xf32, #tpu.memory_space<vmem>>
    %dma_start3A_87 = tpu.memref_slice %arg2[%select_n3A_46, %select_n3A_60, %mul3A_78] : memref<3x4096x4096xf32, #tpu.memory_space<hbm>> -> memref<1x8x2048xf32, #tpu.memory_space<hbm>>
    %dma_start3A_88 = tpu.memref_squeeze %dma_start3A_87 : memref<1x8x2048xf32, #tpu.memory_space<hbm>> -> memref<8x2048xf32, #tpu.memory_space<hbm>>
    %dma_start3A_89 = arith.constant 0 : i32
    %dma_start3A_90 = arith.constant 0 : i32
    %dma_start3A_91 = tpu.memref_slice %arg6[%dma_start3A, %dma_start3A_89, %dma_start3A_90] : memref<2x8x2048xf32, #tpu.memory_space<vmem>> -> memref<1x8x2048xf32, #tpu.memory_space<vmem>>
    %dma_start3A_92 = tpu.memref_squeeze %dma_start3A_91 : memref<1x8x2048xf32, #tpu.memory_space<vmem>> -> memref<8x2048xf32, #tpu.memory_space<vmem>>
    %dma_start3A_93 = tpu.memref_slice %arg2[%select_n3A_46, %select_n3A_60, %mul3A_78] : memref<3x4096x4096xf32, #tpu.memory_space<hbm>> -> memref<1x8x2048xf32, #tpu.memory_space<hbm>>
    %dma_start3A_94 = tpu.memref_squeeze %dma_start3A_93 : memref<1x8x2048xf32, #tpu.memory_space<hbm>> -> memref<8x2048xf32, #tpu.memory_space<hbm>>
    tpu.enqueue_dma source(%dma_start3A_94 : memref<8x2048xf32, #tpu.memory_space<hbm>>) target(%dma_start3A_92 : memref<8x2048xf32, #tpu.memory_space<vmem>>) target_semaphore(%arg12 : memref<!tpu.dma_semaphore, #tpu.memory_space<semaphore_mem>>)
    %dma_start3A_95 = arith.constant 1 : i32
    %dma_start3A_96 = arith.constant 0 : i32
    %dma_start3A_97 = arith.constant 0 : i32
    %dma_start3A_98 = tpu.memref_slice %arg6[%dma_start3A_95, %dma_start3A_96, %dma_start3A_97] : memref<2x8x2048xf32, #tpu.memory_space<vmem>> -> memref<1x8x2048xf32, #tpu.memory_space<vmem>>
    %dma_start3A_99 = tpu.memref_squeeze %dma_start3A_98 : memref<1x8x2048xf32, #tpu.memory_space<vmem>> -> memref<8x2048xf32, #tpu.memory_space<vmem>>
    %dma_start3A_100 = tpu.memref_slice %arg3[%select_n3A_46, %select_n3A_60, %mul3A_78] : memref<3x4096x4096xf32, #tpu.memory_space<hbm>> -> memref<1x8x2048xf32, #tpu.memory_space<hbm>>
    %dma_start3A_101 = tpu.memref_squeeze %dma_start3A_100 : memref<1x8x2048xf32, #tpu.memory_space<hbm>> -> memref<8x2048xf32, #tpu.memory_space<hbm>>
    %dma_start3A_102 = arith.constant 0 : i32
    %dma_start3A_103 = arith.constant 0 : i32
    %dma_start3A_104 = tpu.memref_slice %arg6[%dma_start3A_95, %dma_start3A_102, %dma_start3A_103] : memref<2x8x2048xf32, #tpu.memory_space<vmem>> -> memref<1x8x2048xf32, #tpu.memory_space<vmem>>
    %dma_start3A_105 = tpu.memref_squeeze %dma_start3A_104 : memref<1x8x2048xf32, #tpu.memory_space<vmem>> -> memref<8x2048xf32, #tpu.memory_space<vmem>>
    %dma_start3A_106 = tpu.memref_slice %arg3[%select_n3A_46, %select_n3A_60, %mul3A_78] : memref<3x4096x4096xf32, #tpu.memory_space<hbm>> -> memref<1x8x2048xf32, #tpu.memory_space<hbm>>
    %dma_start3A_107 = tpu.memref_squeeze %dma_start3A_106 : memref<1x8x2048xf32, #tpu.memory_space<hbm>> -> memref<8x2048xf32, #tpu.memory_space<hbm>>
    tpu.enqueue_dma source(%dma_start3A_107 : memref<8x2048xf32, #tpu.memory_space<hbm>>) target(%dma_start3A_105 : memref<8x2048xf32, #tpu.memory_space<vmem>>) target_semaphore(%arg12 : memref<!tpu.dma_semaphore, #tpu.memory_space<semaphore_mem>>)
    %dma_start3A_108 = tpu.memref_slice %arg4[%mul3A_82] : memref<3145728xi32, #tpu.memory_space<hbm>> -> memref<1024xi32, #tpu.memory_space<hbm>>
    %dma_start3A_109 = tpu.memref_slice %arg4[%mul3A_82] : memref<3145728xi32, #tpu.memory_space<hbm>> -> memref<1024xi32, #tpu.memory_space<hbm>>
    tpu.enqueue_dma source(%dma_start3A_109 : memref<1024xi32, #tpu.memory_space<hbm>>) target(%arg10 : memref<1024xi32, #tpu.memory_space<vmem>>) target_semaphore(%arg12 : memref<!tpu.dma_semaphore, #tpu.memory_space<semaphore_mem>>)
    %add3A_110 = arith.constant 1 : i32
    %add3A_111 = arith.addi %mul3A_2, %add3A_110 : i32
    %jit3A_112 = arith.constant 2 : i32
    %div3A_113 = arith.divsi %add3A_111, %jit3A_112 : i32
    %sign3A_114 = arith.constant 0 : i32
    %sign3A_115 = arith.cmpi sgt, %add3A_111, %sign3A_114 : i32
    %sign3A_116 = arith.extui %sign3A_115 : i1 to i32
    %sign3A_117 = arith.constant 0 : i32
    %sign3A_118 = arith.cmpi slt, %add3A_111, %sign3A_117 : i32
    %sign3A_119 = arith.extui %sign3A_118 : i1 to i32
    %sign3A_120 = arith.subi %sign3A_116, %sign3A_119 : i32
    %sign3A_121 = arith.constant 0 : i32
    %sign3A_122 = arith.cmpi sgt, %jit3A_112, %sign3A_121 : i32
    %sign3A_123 = arith.extui %sign3A_122 : i1 to i32
    %sign3A_124 = arith.constant 0 : i32
    %sign3A_125 = arith.cmpi slt, %jit3A_112, %sign3A_124 : i32
    %sign3A_126 = arith.extui %sign3A_125 : i1 to i32
    %sign3A_127 = arith.subi %sign3A_123, %sign3A_126 : i32
    %ne3A_128 = arith.cmpi ne, %sign3A_120, %sign3A_127 : i32
    %rem3A_129 = arith.remsi %add3A_111, %jit3A_112 : i32
    %ne3A_130 = arith.constant 0 : i32
    %ne3A_131 = arith.cmpi ne, %rem3A_129, %ne3A_130 : i32
    %and3A_132 = arith.andi %ne3A_128, %ne3A_131 : i1
    %sub3A_133 = arith.constant 1 : i32
    %sub3A_134 = arith.subi %div3A_113, %sub3A_133 : i32
    %select_n3A_135 = arith.select %and3A_132, %sub3A_134, %div3A_113 : i32
    %mul3A_136 = arith.constant 8 : i32
    %mul3A_137 = arith.muli %select_n3A_135, %mul3A_136 : i32
    %jit3A_138 = arith.constant 4096 : i32
    %div3A_139 = arith.divsi %mul3A_137, %jit3A_138 : i32
    %sign3A_140 = arith.constant 0 : i32
    %sign3A_141 = arith.cmpi sgt, %mul3A_137, %sign3A_140 : i32
    %sign3A_142 = arith.extui %sign3A_141 : i1 to i32
    %sign3A_143 = arith.constant 0 : i32
    %sign3A_144 = arith.cmpi slt, %mul3A_137, %sign3A_143 : i32
    %sign3A_145 = arith.extui %sign3A_144 : i1 to i32
    %sign3A_146 = arith.subi %sign3A_142, %sign3A_145 : i32
    %sign3A_147 = arith.constant 0 : i32
    %sign3A_148 = arith.cmpi sgt, %jit3A_138, %sign3A_147 : i32
    %sign3A_149 = arith.extui %sign3A_148 : i1 to i32
    %sign3A_150 = arith.constant 0 : i32
    %sign3A_151 = arith.cmpi slt, %jit3A_138, %sign3A_150 : i32
    %sign3A_152 = arith.extui %sign3A_151 : i1 to i32
    %sign3A_153 = arith.subi %sign3A_149, %sign3A_152 : i32
    %ne3A_154 = arith.cmpi ne, %sign3A_146, %sign3A_153 : i32
    %rem3A_155 = arith.remsi %mul3A_137, %jit3A_138 : i32
    %ne3A_156 = arith.constant 0 : i32
    %ne3A_157 = arith.cmpi ne, %rem3A_155, %ne3A_156 : i32
    %and3A_158 = arith.andi %ne3A_154, %ne3A_157 : i1
    %sub3A_159 = arith.constant 1 : i32
    %sub3A_160 = arith.subi %div3A_139, %sub3A_159 : i32
    %select_n3A_161 = arith.select %and3A_158, %sub3A_160, %div3A_139 : i32
    %jit3A_162 = arith.constant 4096 : i32
    %eq3A_163 = arith.constant 0 : i32
    %eq3A_164 = arith.cmpi eq, %jit3A_162, %eq3A_163 : i32
    %jit3A_165 = arith.constant 1 : i32
    %select_n3A_166 = arith.select %eq3A_164, %jit3A_165, %jit3A_162 : i32
    %rem3A_167 = arith.remsi %mul3A_137, %select_n3A_166 : i32
    %ne3A_168 = arith.constant 0 : i32
    %ne3A_169 = arith.cmpi ne, %rem3A_167, %ne3A_168 : i32
    %lt3A_170 = arith.constant 0 : i32
    %lt3A_171 = arith.cmpi slt, %rem3A_167, %lt3A_170 : i32
    %lt3A_172 = arith.constant 0 : i32
    %lt3A_173 = arith.cmpi slt, %select_n3A_166, %lt3A_172 : i32
    %ne3A_174 = arith.xori %lt3A_171, %lt3A_173 : i1
    %and3A_175 = arith.andi %ne3A_174, %ne3A_169 : i1
    %add3A_176 = arith.addi %rem3A_167, %select_n3A_166 : i32
    %select_n3A_177 = arith.select %and3A_175, %add3A_176, %rem3A_167 : i32
    %jit3A_178 = arith.constant 2 : i32
    %eq3A_179 = arith.constant 0 : i32
    %eq3A_180 = arith.cmpi eq, %jit3A_178, %eq3A_179 : i32
    %jit3A_181 = arith.constant 1 : i32
    %select_n3A_182 = arith.select %eq3A_180, %jit3A_181, %jit3A_178 : i32
    %rem3A_183 = arith.remsi %add3A_111, %select_n3A_182 : i32
    %ne3A_184 = arith.constant 0 : i32
    %ne3A_185 = arith.cmpi ne, %rem3A_183, %ne3A_184 : i32
    %lt3A_186 = arith.constant 0 : i32
    %lt3A_187 = arith.cmpi slt, %rem3A_183, %lt3A_186 : i32
    %lt3A_188 = arith.constant 0 : i32
    %lt3A_189 = arith.cmpi slt, %select_n3A_182, %lt3A_188 : i32
    %ne3A_190 = arith.xori %lt3A_187, %lt3A_189 : i1
    %and3A_191 = arith.andi %ne3A_190, %ne3A_185 : i1
    %add3A_192 = arith.addi %rem3A_183, %select_n3A_182 : i32
    %select_n3A_193 = arith.select %and3A_191, %add3A_192, %rem3A_183 : i32
    %mul3A_194 = arith.constant 2048 : i32
    %mul3A_195 = arith.muli %select_n3A_193, %mul3A_194 : i32
    %add3A_196 = arith.constant 1 : i32
    %add3A_197 = arith.addi %mul3A_2, %add3A_196 : i32
    %mul3A_198 = arith.constant 1024 : i32
    %mul3A_199 = arith.muli %add3A_197, %mul3A_198 : i32
    %dma_start3A_200 = arith.constant 0 : i32
    %dma_start3A_201 = arith.constant 0 : i32
    %dma_start3A_202 = arith.constant 0 : i32
    %dma_start3A_203 = tpu.memref_slice %arg7[%dma_start3A_200, %dma_start3A_201, %dma_start3A_202] : memref<2x8x2048xf32, #tpu.memory_space<vmem>> -> memref<1x8x2048xf32, #tpu.memory_space<vmem>>
    %dma_start3A_204 = tpu.memref_squeeze %dma_start3A_203 : memref<1x8x2048xf32, #tpu.memory_space<vmem>> -> memref<8x2048xf32, #tpu.memory_space<vmem>>
    %dma_start3A_205 = tpu.memref_slice %arg2[%select_n3A_161, %select_n3A_177, %mul3A_195] : memref<3x4096x4096xf32, #tpu.memory_space<hbm>> -> memref<1x8x2048xf32, #tpu.memory_space<hbm>>
    %dma_start3A_206 = tpu.memref_squeeze %dma_start3A_205 : memref<1x8x2048xf32, #tpu.memory_space<hbm>> -> memref<8x2048xf32, #tpu.memory_space<hbm>>
    %dma_start3A_207 = arith.constant 0 : i32
    %dma_start3A_208 = arith.constant 0 : i32
    %dma_start3A_209 = tpu.memref_slice %arg7[%dma_start3A_200, %dma_start3A_207, %dma_start3A_208] : memref<2x8x2048xf32, #tpu.memory_space<vmem>> -> memref<1x8x2048xf32, #tpu.memory_space<vmem>>
    %dma_start3A_210 = tpu.memref_squeeze %dma_start3A_209 : memref<1x8x2048xf32, #tpu.memory_space<vmem>> -> memref<8x2048xf32, #tpu.memory_space<vmem>>
    %dma_start3A_211 = tpu.memref_slice %arg2[%select_n3A_161, %select_n3A_177, %mul3A_195] : memref<3x4096x4096xf32, #tpu.memory_space<hbm>> -> memref<1x8x2048xf32, #tpu.memory_space<hbm>>
    %dma_start3A_212 = tpu.memref_squeeze %dma_start3A_211 : memref<1x8x2048xf32, #tpu.memory_space<hbm>> -> memref<8x2048xf32, #tpu.memory_space<hbm>>
    tpu.enqueue_dma source(%dma_start3A_212 : memref<8x2048xf32, #tpu.memory_space<hbm>>) target(%dma_start3A_210 : memref<8x2048xf32, #tpu.memory_space<vmem>>) target_semaphore(%arg13 : memref<!tpu.dma_semaphore, #tpu.memory_space<semaphore_mem>>)
    %dma_start3A_213 = arith.constant 1 : i32
    %dma_start3A_214 = arith.constant 0 : i32
    %dma_start3A_215 = arith.constant 0 : i32
    %dma_start3A_216 = tpu.memref_slice %arg7[%dma_start3A_213, %dma_start3A_214, %dma_start3A_215] : memref<2x8x2048xf32, #tpu.memory_space<vmem>> -> memref<1x8x2048xf32, #tpu.memory_space<vmem>>
    %dma_start3A_217 = tpu.memref_squeeze %dma_start3A_216 : memref<1x8x2048xf32, #tpu.memory_space<vmem>> -> memref<8x2048xf32, #tpu.memory_space<vmem>>
    %dma_start3A_218 = tpu.memref_slice %arg3[%select_n3A_161, %select_n3A_177, %mul3A_195] : memref<3x4096x4096xf32, #tpu.memory_space<hbm>> -> memref<1x8x2048xf32, #tpu.memory_space<hbm>>
    %dma_start3A_219 = tpu.memref_squeeze %dma_start3A_218 : memref<1x8x2048xf32, #tpu.memory_space<hbm>> -> memref<8x2048xf32, #tpu.memory_space<hbm>>
    %dma_start3A_220 = arith.constant 0 : i32
    %dma_start3A_221 = arith.constant 0 : i32
    %dma_start3A_222 = tpu.memref_slice %arg7[%dma_start3A_213, %dma_start3A_220, %dma_start3A_221] : memref<2x8x2048xf32, #tpu.memory_space<vmem>> -> memref<1x8x2048xf32, #tpu.memory_space<vmem>>
    %dma_start3A_223 = tpu.memref_squeeze %dma_start3A_222 : memref<1x8x2048xf32, #tpu.memory_space<vmem>> -> memref<8x2048xf32, #tpu.memory_space<vmem>>
    %dma_start3A_224 = tpu.memref_slice %arg3[%select_n3A_161, %select_n3A_177, %mul3A_195] : memref<3x4096x4096xf32, #tpu.memory_space<hbm>> -> memref<1x8x2048xf32, #tpu.memory_space<hbm>>
    %dma_start3A_225 = tpu.memref_squeeze %dma_start3A_224 : memref<1x8x2048xf32, #tpu.memory_space<hbm>> -> memref<8x2048xf32, #tpu.memory_space<hbm>>
    tpu.enqueue_dma source(%dma_start3A_225 : memref<8x2048xf32, #tpu.memory_space<hbm>>) target(%dma_start3A_223 : memref<8x2048xf32, #tpu.memory_space<vmem>>) target_semaphore(%arg13 : memref<!tpu.dma_semaphore, #tpu.memory_space<semaphore_mem>>)
    %dma_start3A_226 = tpu.memref_slice %arg4[%mul3A_199] : memref<3145728xi32, #tpu.memory_space<hbm>> -> memref<1024xi32, #tpu.memory_space<hbm>>
    %dma_start3A_227 = tpu.memref_slice %arg4[%mul3A_199] : memref<3145728xi32, #tpu.memory_space<hbm>> -> memref<1024xi32, #tpu.memory_space<hbm>>
    tpu.enqueue_dma source(%dma_start3A_227 : memref<1024xi32, #tpu.memory_space<hbm>>) target(%arg11 : memref<1024xi32, #tpu.memory_space<vmem>>) target_semaphore(%arg13 : memref<!tpu.dma_semaphore, #tpu.memory_space<semaphore_mem>>)
    %scan3A = arith.constant 0 : i32
    %scan3A_228 = arith.constant 0 : i32
    %scan3A_229 = arith.constant 48 : i32
    %scan3A_230 = arith.addi %scan3A_228, %scan3A_229 : i32
    %scan3A_231 = arith.constant 1 : i32
    scf.for %scan3A_412 = %scan3A_228 to %scan3A_230 step %scan3A_231  : i32 {
      %mul3A_413 = arith.constant 2 : i32
      %mul3A_414 = arith.muli %scan3A_412, %mul3A_413 : i32
      %add3A_415 = arith.constant 0 : i32
      %add3A_416 = arith.addi %mul3A_414, %add3A_415 : i32
      %add3A_417 = arith.addi %mul3A_2, %add3A_416 : i32
      %jit3A_418 = arith.constant 2 : i32
      %div3A_419 = arith.divsi %add3A_417, %jit3A_418 : i32
      %sign3A_420 = arith.constant 0 : i32
      %sign3A_421 = arith.cmpi sgt, %add3A_417, %sign3A_420 : i32
      %sign3A_422 = arith.extui %sign3A_421 : i1 to i32
      %sign3A_423 = arith.constant 0 : i32
      %sign3A_424 = arith.cmpi slt, %add3A_417, %sign3A_423 : i32
      %sign3A_425 = arith.extui %sign3A_424 : i1 to i32
      %sign3A_426 = arith.subi %sign3A_422, %sign3A_425 : i32
      %sign3A_427 = arith.constant 0 : i32
      %sign3A_428 = arith.cmpi sgt, %jit3A_418, %sign3A_427 : i32
      %sign3A_429 = arith.extui %sign3A_428 : i1 to i32
      %sign3A_430 = arith.constant 0 : i32
      %sign3A_431 = arith.cmpi slt, %jit3A_418, %sign3A_430 : i32
      %sign3A_432 = arith.extui %sign3A_431 : i1 to i32
      %sign3A_433 = arith.subi %sign3A_429, %sign3A_432 : i32
      %ne3A_434 = arith.cmpi ne, %sign3A_426, %sign3A_433 : i32
      %rem3A_435 = arith.remsi %add3A_417, %jit3A_418 : i32
      %ne3A_436 = arith.constant 0 : i32
      %ne3A_437 = arith.cmpi ne, %rem3A_435, %ne3A_436 : i32
      %and3A_438 = arith.andi %ne3A_434, %ne3A_437 : i1
      %sub3A_439 = arith.constant 1 : i32
      %sub3A_440 = arith.subi %div3A_419, %sub3A_439 : i32
      %select_n3A_441 = arith.select %and3A_438, %sub3A_440, %div3A_419 : i32
      %mul3A_442 = arith.constant 8 : i32
      %mul3A_443 = arith.muli %select_n3A_441, %mul3A_442 : i32
      %jit3A_444 = arith.constant 4096 : i32
      %div3A_445 = arith.divsi %mul3A_443, %jit3A_444 : i32
      %sign3A_446 = arith.constant 0 : i32
      %sign3A_447 = arith.cmpi sgt, %mul3A_443, %sign3A_446 : i32
      %sign3A_448 = arith.extui %sign3A_447 : i1 to i32
      %sign3A_449 = arith.constant 0 : i32
      %sign3A_450 = arith.cmpi slt, %mul3A_443, %sign3A_449 : i32
      %sign3A_451 = arith.extui %sign3A_450 : i1 to i32
      %sign3A_452 = arith.subi %sign3A_448, %sign3A_451 : i32
      %sign3A_453 = arith.constant 0 : i32
      %sign3A_454 = arith.cmpi sgt, %jit3A_444, %sign3A_453 : i32
      %sign3A_455 = arith.extui %sign3A_454 : i1 to i32
      %sign3A_456 = arith.constant 0 : i32
      %sign3A_457 = arith.cmpi slt, %jit3A_444, %sign3A_456 : i32
      %sign3A_458 = arith.extui %sign3A_457 : i1 to i32
      %sign3A_459 = arith.subi %sign3A_455, %sign3A_458 : i32
      %ne3A_460 = arith.cmpi ne, %sign3A_452, %sign3A_459 : i32
      %rem3A_461 = arith.remsi %mul3A_443, %jit3A_444 : i32
      %ne3A_462 = arith.constant 0 : i32
      %ne3A_463 = arith.cmpi ne, %rem3A_461, %ne3A_462 : i32
      %and3A_464 = arith.andi %ne3A_460, %ne3A_463 : i1
      %sub3A_465 = arith.constant 1 : i32
      %sub3A_466 = arith.subi %div3A_445, %sub3A_465 : i32
      %select_n3A_467 = arith.select %and3A_464, %sub3A_466, %div3A_445 : i32
      %jit3A_468 = arith.constant 4096 : i32
      %eq3A_469 = arith.constant 0 : i32
      %eq3A_470 = arith.cmpi eq, %jit3A_468, %eq3A_469 : i32
      %jit3A_471 = arith.constant 1 : i32
      %select_n3A_472 = arith.select %eq3A_470, %jit3A_471, %jit3A_468 : i32
      %rem3A_473 = arith.remsi %mul3A_443, %select_n3A_472 : i32
      %ne3A_474 = arith.constant 0 : i32
      %ne3A_475 = arith.cmpi ne, %rem3A_473, %ne3A_474 : i32
      %lt3A_476 = arith.constant 0 : i32
      %lt3A_477 = arith.cmpi slt, %rem3A_473, %lt3A_476 : i32
      %lt3A_478 = arith.constant 0 : i32
      %lt3A_479 = arith.cmpi slt, %select_n3A_472, %lt3A_478 : i32
      %ne3A_480 = arith.xori %lt3A_477, %lt3A_479 : i1
      %and3A_481 = arith.andi %ne3A_480, %ne3A_475 : i1
      %add3A_482 = arith.addi %rem3A_473, %select_n3A_472 : i32
      %select_n3A_483 = arith.select %and3A_481, %add3A_482, %rem3A_473 : i32
      %jit3A_484 = arith.constant 2 : i32
      %eq3A_485 = arith.constant 0 : i32
      %eq3A_486 = arith.cmpi eq, %jit3A_484, %eq3A_485 : i32
      %jit3A_487 = arith.constant 1 : i32
      %select_n3A_488 = arith.select %eq3A_486, %jit3A_487, %jit3A_484 : i32
      %rem3A_489 = arith.remsi %add3A_417, %select_n3A_488 : i32
      %ne3A_490 = arith.constant 0 : i32
      %ne3A_491 = arith.cmpi ne, %rem3A_489, %ne3A_490 : i32
      %lt3A_492 = arith.constant 0 : i32
      %lt3A_493 = arith.cmpi slt, %rem3A_489, %lt3A_492 : i32
      %lt3A_494 = arith.constant 0 : i32
      %lt3A_495 = arith.cmpi slt, %select_n3A_488, %lt3A_494 : i32
      %ne3A_496 = arith.xori %lt3A_493, %lt3A_495 : i1
      %and3A_497 = arith.andi %ne3A_496, %ne3A_491 : i1
      %add3A_498 = arith.addi %rem3A_489, %select_n3A_488 : i32
      %select_n3A_499 = arith.select %and3A_497, %add3A_498, %rem3A_489 : i32
      %mul3A_500 = arith.constant 2048 : i32
      %mul3A_501 = arith.muli %select_n3A_499, %mul3A_500 : i32
      %add3A_502 = arith.addi %mul3A_2, %add3A_416 : i32
      %mul3A_503 = arith.constant 1024 : i32
      %mul3A_504 = arith.muli %add3A_502, %mul3A_503 : i32
      %dma_wait3A_505 = arith.constant 0 : i32
      %dma_wait3A_506 = arith.constant 0 : i32
      %dma_wait3A_507 = arith.constant 0 : i32
      %dma_wait3A_508 = tpu.memref_slice %arg6[%dma_wait3A_505, %dma_wait3A_506, %dma_wait3A_507] : memref<2x8x2048xf32, #tpu.memory_space<vmem>> -> memref<1x8x2048xf32, #tpu.memory_space<vmem>>
      %dma_wait3A_509 = tpu.memref_squeeze %dma_wait3A_508 : memref<1x8x2048xf32, #tpu.memory_space<vmem>> -> memref<8x2048xf32, #tpu.memory_space<vmem>>
      %dma_wait3A_510 = tpu.memref_slice %arg2[%select_n3A_467, %select_n3A_483, %mul3A_501] : memref<3x4096x4096xf32, #tpu.memory_space<hbm>> -> memref<1x8x2048xf32, #tpu.memory_space<hbm>>
      %dma_wait3A_511 = tpu.memref_squeeze %dma_wait3A_510 : memref<1x8x2048xf32, #tpu.memory_space<hbm>> -> memref<8x2048xf32, #tpu.memory_space<hbm>>
      %dma_wait3A_512 = arith.constant 0 : i32
      %dma_wait3A_513 = arith.constant 0 : i32
      %dma_wait3A_514 = tpu.memref_slice %arg6[%dma_wait3A_505, %dma_wait3A_512, %dma_wait3A_513] : memref<2x8x2048xf32, #tpu.memory_space<vmem>> -> memref<1x8x2048xf32, #tpu.memory_space<vmem>>
      %dma_wait3A_515 = tpu.memref_squeeze %dma_wait3A_514 : memref<1x8x2048xf32, #tpu.memory_space<vmem>> -> memref<8x2048xf32, #tpu.memory_space<vmem>>
      %dma_wait3A_516 = tpu.memref_slice %arg2[%select_n3A_467, %select_n3A_483, %mul3A_501] : memref<3x4096x4096xf32, #tpu.memory_space<hbm>> -> memref<1x8x2048xf32, #tpu.memory_space<hbm>>
      %dma_wait3A_517 = tpu.memref_squeeze %dma_wait3A_516 : memref<1x8x2048xf32, #tpu.memory_space<hbm>> -> memref<8x2048xf32, #tpu.memory_space<hbm>>
      tpu.wait_dma2 semaphore(%arg12 : memref<!tpu.dma_semaphore, #tpu.memory_space<semaphore_mem>>) src(%dma_wait3A_517 : memref<8x2048xf32, #tpu.memory_space<hbm>>) dst(%dma_wait3A_515 : memref<8x2048xf32, #tpu.memory_space<vmem>>)
      %dma_wait3A_518 = arith.constant 1 : i32
      %dma_wait3A_519 = arith.constant 0 : i32
      %dma_wait3A_520 = arith.constant 0 : i32
      %dma_wait3A_521 = tpu.memref_slice %arg6[%dma_wait3A_518, %dma_wait3A_519, %dma_wait3A_520] : memref<2x8x2048xf32, #tpu.memory_space<vmem>> -> memref<1x8x2048xf32, #tpu.memory_space<vmem>>
      %dma_wait3A_522 = tpu.memref_squeeze %dma_wait3A_521 : memref<1x8x2048xf32, #tpu.memory_space<vmem>> -> memref<8x2048xf32, #tpu.memory_space<vmem>>
      %dma_wait3A_523 = tpu.memref_slice %arg3[%select_n3A_467, %select_n3A_483, %mul3A_501] : memref<3x4096x4096xf32, #tpu.memory_space<hbm>> -> memref<1x8x2048xf32, #tpu.memory_space<hbm>>
      %dma_wait3A_524 = tpu.memref_squeeze %dma_wait3A_523 : memref<1x8x2048xf32, #tpu.memory_space<hbm>> -> memref<8x2048xf32, #tpu.memory_space<hbm>>
      %dma_wait3A_525 = arith.constant 0 : i32
      %dma_wait3A_526 = arith.constant 0 : i32
      %dma_wait3A_527 = tpu.memref_slice %arg6[%dma_wait3A_518, %dma_wait3A_525, %dma_wait3A_526] : memref<2x8x2048xf32, #tpu.memory_space<vmem>> -> memref<1x8x2048xf32, #tpu.memory_space<vmem>>
      %dma_wait3A_528 = tpu.memref_squeeze %dma_wait3A_527 : memref<1x8x2048xf32, #tpu.memory_space<vmem>> -> memref<8x2048xf32, #tpu.memory_space<vmem>>
      %dma_wait3A_529 = tpu.memref_slice %arg3[%select_n3A_467, %select_n3A_483, %mul3A_501] : memref<3x4096x4096xf32, #tpu.memory_space<hbm>> -> memref<1x8x2048xf32, #tpu.memory_space<hbm>>
      %dma_wait3A_530 = tpu.memref_squeeze %dma_wait3A_529 : memref<1x8x2048xf32, #tpu.memory_space<hbm>> -> memref<8x2048xf32, #tpu.memory_space<hbm>>
      tpu.wait_dma2 semaphore(%arg12 : memref<!tpu.dma_semaphore, #tpu.memory_space<semaphore_mem>>) src(%dma_wait3A_530 : memref<8x2048xf32, #tpu.memory_space<hbm>>) dst(%dma_wait3A_528 : memref<8x2048xf32, #tpu.memory_space<vmem>>)
      %dma_wait3A_531 = tpu.memref_slice %arg4[%mul3A_504] : memref<3145728xi32, #tpu.memory_space<hbm>> -> memref<1024xi32, #tpu.memory_space<hbm>>
      %dma_wait3A_532 = tpu.memref_slice %arg4[%mul3A_504] : memref<3145728xi32, #tpu.memory_space<hbm>> -> memref<1024xi32, #tpu.memory_space<hbm>>
      tpu.wait_dma2 semaphore(%arg12 : memref<!tpu.dma_semaphore, #tpu.memory_space<semaphore_mem>>) src(%dma_wait3A_532 : memref<1024xi32, #tpu.memory_space<hbm>>) dst(%arg10 : memref<1024xi32, #tpu.memory_space<vmem>>)
      %gt3A = arith.constant 0 : i32
      %gt3A_533 = arith.cmpi sgt, %scan3A_412, %gt3A : i32
      %convert_element_type3A = arith.extui %gt3A_533 : i1 to i32
      %cond3A = arith.constant 0 : i32
      %cond3A_534 = arith.cmpi ne, %convert_element_type3A, %cond3A : i32
      scf.if %cond3A_534 {
        %sub3A_853 = arith.constant 2 : i32
        %sub3A_854 = arith.subi %add3A_416, %sub3A_853 : i32
        %add3A_855 = arith.addi %mul3A_2, %sub3A_854 : i32
        %jit3A_856 = arith.constant 2 : i32
        %div3A_857 = arith.divsi %add3A_855, %jit3A_856 : i32
        %sign3A_858 = arith.constant 0 : i32
        %sign3A_859 = arith.cmpi sgt, %add3A_855, %sign3A_858 : i32
        %sign3A_860 = arith.extui %sign3A_859 : i1 to i32
        %sign3A_861 = arith.constant 0 : i32
        %sign3A_862 = arith.cmpi slt, %add3A_855, %sign3A_861 : i32
        %sign3A_863 = arith.extui %sign3A_862 : i1 to i32
        %sign3A_864 = arith.subi %sign3A_860, %sign3A_863 : i32
        %sign3A_865 = arith.constant 0 : i32
        %sign3A_866 = arith.cmpi sgt, %jit3A_856, %sign3A_865 : i32
        %sign3A_867 = arith.extui %sign3A_866 : i1 to i32
        %sign3A_868 = arith.constant 0 : i32
        %sign3A_869 = arith.cmpi slt, %jit3A_856, %sign3A_868 : i32
        %sign3A_870 = arith.extui %sign3A_869 : i1 to i32
        %sign3A_871 = arith.subi %sign3A_867, %sign3A_870 : i32
        %ne3A_872 = arith.cmpi ne, %sign3A_864, %sign3A_871 : i32
        %rem3A_873 = arith.remsi %add3A_855, %jit3A_856 : i32
        %ne3A_874 = arith.constant 0 : i32
        %ne3A_875 = arith.cmpi ne, %rem3A_873, %ne3A_874 : i32
        %and3A_876 = arith.andi %ne3A_872, %ne3A_875 : i1
        %sub3A_877 = arith.constant 1 : i32
        %sub3A_878 = arith.subi %div3A_857, %sub3A_877 : i32
        %select_n3A_879 = arith.select %and3A_876, %sub3A_878, %div3A_857 : i32
        %mul3A_880 = arith.constant 8 : i32
        %mul3A_881 = arith.muli %select_n3A_879, %mul3A_880 : i32
        %jit3A_882 = arith.constant 4096 : i32
        %div3A_883 = arith.divsi %mul3A_881, %jit3A_882 : i32
        %sign3A_884 = arith.constant 0 : i32
        %sign3A_885 = arith.cmpi sgt, %mul3A_881, %sign3A_884 : i32
        %sign3A_886 = arith.extui %sign3A_885 : i1 to i32
        %sign3A_887 = arith.constant 0 : i32
        %sign3A_888 = arith.cmpi slt, %mul3A_881, %sign3A_887 : i32
        %sign3A_889 = arith.extui %sign3A_888 : i1 to i32
        %sign3A_890 = arith.subi %sign3A_886, %sign3A_889 : i32
        %sign3A_891 = arith.constant 0 : i32
        %sign3A_892 = arith.cmpi sgt, %jit3A_882, %sign3A_891 : i32
        %sign3A_893 = arith.extui %sign3A_892 : i1 to i32
        %sign3A_894 = arith.constant 0 : i32
        %sign3A_895 = arith.cmpi slt, %jit3A_882, %sign3A_894 : i32
        %sign3A_896 = arith.extui %sign3A_895 : i1 to i32
        %sign3A_897 = arith.subi %sign3A_893, %sign3A_896 : i32
        %ne3A_898 = arith.cmpi ne, %sign3A_890, %sign3A_897 : i32
        %rem3A_899 = arith.remsi %mul3A_881, %jit3A_882 : i32
        %ne3A_900 = arith.constant 0 : i32
        %ne3A_901 = arith.cmpi ne, %rem3A_899, %ne3A_900 : i32
        %and3A_902 = arith.andi %ne3A_898, %ne3A_901 : i1
        %sub3A_903 = arith.constant 1 : i32
        %sub3A_904 = arith.subi %div3A_883, %sub3A_903 : i32
        %select_n3A_905 = arith.select %and3A_902, %sub3A_904, %div3A_883 : i32
        %jit3A_906 = arith.constant 4096 : i32
        %eq3A_907 = arith.constant 0 : i32
        %eq3A_908 = arith.cmpi eq, %jit3A_906, %eq3A_907 : i32
        %jit3A_909 = arith.constant 1 : i32
        %select_n3A_910 = arith.select %eq3A_908, %jit3A_909, %jit3A_906 : i32
        %rem3A_911 = arith.remsi %mul3A_881, %select_n3A_910 : i32
        %ne3A_912 = arith.constant 0 : i32
        %ne3A_913 = arith.cmpi ne, %rem3A_911, %ne3A_912 : i32
        %lt3A_914 = arith.constant 0 : i32
        %lt3A_915 = arith.cmpi slt, %rem3A_911, %lt3A_914 : i32
        %lt3A_916 = arith.constant 0 : i32
        %lt3A_917 = arith.cmpi slt, %select_n3A_910, %lt3A_916 : i32
        %ne3A_918 = arith.xori %lt3A_915, %lt3A_917 : i1
        %and3A_919 = arith.andi %ne3A_918, %ne3A_913 : i1
        %add3A_920 = arith.addi %rem3A_911, %select_n3A_910 : i32
        %select_n3A_921 = arith.select %and3A_919, %add3A_920, %rem3A_911 : i32
        %jit3A_922 = arith.constant 2 : i32
        %eq3A_923 = arith.constant 0 : i32
        %eq3A_924 = arith.cmpi eq, %jit3A_922, %eq3A_923 : i32
        %jit3A_925 = arith.constant 1 : i32
        %select_n3A_926 = arith.select %eq3A_924, %jit3A_925, %jit3A_922 : i32
        %rem3A_927 = arith.remsi %add3A_855, %select_n3A_926 : i32
        %ne3A_928 = arith.constant 0 : i32
        %ne3A_929 = arith.cmpi ne, %rem3A_927, %ne3A_928 : i32
        %lt3A_930 = arith.constant 0 : i32
        %lt3A_931 = arith.cmpi slt, %rem3A_927, %lt3A_930 : i32
        %lt3A_932 = arith.constant 0 : i32
        %lt3A_933 = arith.cmpi slt, %select_n3A_926, %lt3A_932 : i32
        %ne3A_934 = arith.xori %lt3A_931, %lt3A_933 : i1
        %and3A_935 = arith.andi %ne3A_934, %ne3A_929 : i1
        %add3A_936 = arith.addi %rem3A_927, %select_n3A_926 : i32
        %select_n3A_937 = arith.select %and3A_935, %add3A_936, %rem3A_927 : i32
        %mul3A_938 = arith.constant 2048 : i32
        %mul3A_939 = arith.muli %select_n3A_937, %mul3A_938 : i32
        %dma_wait3A_940 = tpu.memref_slice %arg5[%select_n3A_905, %select_n3A_921, %mul3A_939] : memref<3x4096x4096xf32, #tpu.memory_space<hbm>> -> memref<1x8x2048xf32, #tpu.memory_space<hbm>>
        %dma_wait3A_941 = tpu.memref_squeeze %dma_wait3A_940 : memref<1x8x2048xf32, #tpu.memory_space<hbm>> -> memref<8x2048xf32, #tpu.memory_space<hbm>>
        %dma_wait3A_942 = tpu.memref_slice %arg5[%select_n3A_905, %select_n3A_921, %mul3A_939] : memref<3x4096x4096xf32, #tpu.memory_space<hbm>> -> memref<1x8x2048xf32, #tpu.memory_space<hbm>>
        %dma_wait3A_943 = tpu.memref_squeeze %dma_wait3A_942 : memref<1x8x2048xf32, #tpu.memory_space<hbm>> -> memref<8x2048xf32, #tpu.memory_space<hbm>>
        tpu.wait_dma2 semaphore(%arg14 : memref<!tpu.dma_semaphore, #tpu.memory_space<semaphore_mem>>) src(%arg8 : memref<8x2048xf32, #tpu.memory_space<vmem>>) dst(%dma_wait3A_943 : memref<8x2048xf32, #tpu.memory_space<hbm>>)
      } else {
      }
      %parallel_loop3A = arith.constant 0 : i32
      %parallel_loop3A_535 = arith.constant 64 : i32
      %parallel_loop3A_536 = arith.constant 1 : i32
      scf.for %parallel_loop3A_853 = %parallel_loop3A to %parallel_loop3A_535 step %parallel_loop3A_536  : i32 {
        %parallel_loop3A_854 = arith.constant 16 : i32
        %parallel_loop3A_855 = arith.muli %parallel_loop3A_853, %parallel_loop3A_854 : i32
        %parallel_loop3A_856 = arith.index_cast %parallel_loop3A_855 : i32 to index
        %parallel_loop3A_857 = tpu.vector_load %arg10[%parallel_loop3A_856] {strides = array<i32>} : memref<1024xi32, #tpu.memory_space<vmem>>, vector<16xi32>,
        %parallel_loop3A_858 = arith.constant 16 : i32
        %parallel_loop3A_859 = arith.muli %parallel_loop3A_853, %parallel_loop3A_858 : i32
        %parallel_loop3A_860 = vector.broadcast %parallel_loop3A_859 : i32 to vector<16xi32>
        %parallel_loop3A_861 = arith.addi %parallel_loop3A_860, %iota3A : vector<16xi32>
        %parallel_loop3A_862 = arith.constant 7 : i32
        %parallel_loop3A_863 = vector.broadcast %parallel_loop3A_862 : i32 to vector<16xi32>
        %parallel_loop3A_864 = arith.shrui %parallel_loop3A_861, %parallel_loop3A_863 : vector<16xi32>
        %parallel_loop3A_865 = arith.constant 127 : i32
        %parallel_loop3A_866 = vector.broadcast %parallel_loop3A_865 : i32 to vector<16xi32>
        %parallel_loop3A_867 = arith.andi %parallel_loop3A_861, %parallel_loop3A_866 : vector<16xi32>
        %parallel_loop3A_868 = arith.constant 4 : i32
        %parallel_loop3A_869 = vector.broadcast %parallel_loop3A_868 : i32 to vector<16xi32>
        %parallel_loop3A_870 = arith.shli %parallel_loop3A_867, %parallel_loop3A_869 : vector<16xi32>
        %parallel_loop3A_871 = arith.constant 0 : i32
        %parallel_loop3A_872 = vector.broadcast %parallel_loop3A_871 : i32 to vector<16xi32>
        %parallel_loop3A_873 = arith.addi %parallel_loop3A_870, %parallel_loop3A_872 : vector<16xi32>
        %parallel_loop3A_874 = tpu.vector_load_idx %arg6[%parallel_loop3A_857, %parallel_loop3A_864, %parallel_loop3A_873] : memref<2x8x2048xf32, #tpu.memory_space<vmem>>[vector<16xi32>, vector<16xi32>, vector<16xi32>], vector<16xf32>,
        tpu.vector_store_idx %arg8[%parallel_loop3A_864, %parallel_loop3A_873], %parallel_loop3A_874 : memref<8x2048xf32, #tpu.memory_space<vmem>>[vector<16xi32>, vector<16xi32>], vector<16xf32>,
        %parallel_loop3A_875 = arith.constant 1 : i32
        %parallel_loop3A_876 = vector.broadcast %parallel_loop3A_875 : i32 to vector<16xi32>
        %parallel_loop3A_877 = arith.addi %parallel_loop3A_870, %parallel_loop3A_876 : vector<16xi32>
        %parallel_loop3A_878 = tpu.vector_load_idx %arg6[%parallel_loop3A_857, %parallel_loop3A_864, %parallel_loop3A_877] : memref<2x8x2048xf32, #tpu.memory_space<vmem>>[vector<16xi32>, vector<16xi32>, vector<16xi32>], vector<16xf32>,
        tpu.vector_store_idx %arg8[%parallel_loop3A_864, %parallel_loop3A_877], %parallel_loop3A_878 : memref<8x2048xf32, #tpu.memory_space<vmem>>[vector<16xi32>, vector<16xi32>], vector<16xf32>,
        %parallel_loop3A_879 = arith.constant 2 : i32
        %parallel_loop3A_880 = vector.broadcast %parallel_loop3A_879 : i32 to vector<16xi32>
        %parallel_loop3A_881 = arith.addi %parallel_loop3A_870, %parallel_loop3A_880 : vector<16xi32>
        %parallel_loop3A_882 = tpu.vector_load_idx %arg6[%parallel_loop3A_857, %parallel_loop3A_864, %parallel_loop3A_881] : memref<2x8x2048xf32, #tpu.memory_space<vmem>>[vector<16xi32>, vector<16xi32>, vector<16xi32>], vector<16xf32>,
        tpu.vector_store_idx %arg8[%parallel_loop3A_864, %parallel_loop3A_881], %parallel_loop3A_882 : memref<8x2048xf32, #tpu.memory_space<vmem>>[vector<16xi32>, vector<16xi32>], vector<16xf32>,
        %parallel_loop3A_883 = arith.constant 3 : i32
        %parallel_loop3A_884 = vector.broadcast %parallel_loop3A_883 : i32 to vector<16xi32>
        %parallel_loop3A_885 = arith.addi %parallel_loop3A_870, %parallel_loop3A_884 : vector<16xi32>
        %parallel_loop3A_886 = tpu.vector_load_idx %arg6[%parallel_loop3A_857, %parallel_loop3A_864, %parallel_loop3A_885] : memref<2x8x2048xf32, #tpu.memory_space<vmem>>[vector<16xi32>, vector<16xi32>, vector<16xi32>], vector<16xf32>,
        tpu.vector_store_idx %arg8[%parallel_loop3A_864, %parallel_loop3A_885], %parallel_loop3A_886 : memref<8x2048xf32, #tpu.memory_space<vmem>>[vector<16xi32>, vector<16xi32>], vector<16xf32>,
        %parallel_loop3A_887 = arith.constant 4 : i32
        %parallel_loop3A_888 = vector.broadcast %parallel_loop3A_887 : i32 to vector<16xi32>
        %parallel_loop3A_889 = arith.addi %parallel_loop3A_870, %parallel_loop3A_888 : vector<16xi32>
        %parallel_loop3A_890 = tpu.vector_load_idx %arg6[%parallel_loop3A_857, %parallel_loop3A_864, %parallel_loop3A_889] : memref<2x8x2048xf32, #tpu.memory_space<vmem>>[vector<16xi32>, vector<16xi32>, vector<16xi32>], vector<16xf32>,
        tpu.vector_store_idx %arg8[%parallel_loop3A_864, %parallel_loop3A_889], %parallel_loop3A_890 : memref<8x2048xf32, #tpu.memory_space<vmem>>[vector<16xi32>, vector<16xi32>], vector<16xf32>,
        %parallel_loop3A_891 = arith.constant 5 : i32
        %parallel_loop3A_892 = vector.broadcast %parallel_loop3A_891 : i32 to vector<16xi32>
        %parallel_loop3A_893 = arith.addi %parallel_loop3A_870, %parallel_loop3A_892 : vector<16xi32>
        %parallel_loop3A_894 = tpu.vector_load_idx %arg6[%parallel_loop3A_857, %parallel_loop3A_864, %parallel_loop3A_893] : memref<2x8x2048xf32, #tpu.memory_space<vmem>>[vector<16xi32>, vector<16xi32>, vector<16xi32>], vector<16xf32>,
        tpu.vector_store_idx %arg8[%parallel_loop3A_864, %parallel_loop3A_893], %parallel_loop3A_894 : memref<8x2048xf32, #tpu.memory_space<vmem>>[vector<16xi32>, vector<16xi32>], vector<16xf32>,
        %parallel_loop3A_895 = arith.constant 6 : i32
        %parallel_loop3A_896 = vector.broadcast %parallel_loop3A_895 : i32 to vector<16xi32>
        %parallel_loop3A_897 = arith.addi %parallel_loop3A_870, %parallel_loop3A_896 : vector<16xi32>
        %parallel_loop3A_898 = tpu.vector_load_idx %arg6[%parallel_loop3A_857, %parallel_loop3A_864, %parallel_loop3A_897] : memref<2x8x2048xf32, #tpu.memory_space<vmem>>[vector<16xi32>, vector<16xi32>, vector<16xi32>], vector<16xf32>,
        tpu.vector_store_idx %arg8[%parallel_loop3A_864, %parallel_loop3A_897], %parallel_loop3A_898 : memref<8x2048xf32, #tpu.memory_space<vmem>>[vector<16xi32>, vector<16xi32>], vector<16xf32>,
        %parallel_loop3A_899 = arith.constant 7 : i32
        %parallel_loop3A_900 = vector.broadcast %parallel_loop3A_899 : i32 to vector<16xi32>
        %parallel_loop3A_901 = arith.addi %parallel_loop3A_870, %parallel_loop3A_900 : vector<16xi32>
        %parallel_loop3A_902 = tpu.vector_load_idx %arg6[%parallel_loop3A_857, %parallel_loop3A_864, %parallel_loop3A_901] : memref<2x8x2048xf32, #tpu.memory_space<vmem>>[vector<16xi32>, vector<16xi32>, vector<16xi32>], vector<16xf32>,
        tpu.vector_store_idx %arg8[%parallel_loop3A_864, %parallel_loop3A_901], %parallel_loop3A_902 : memref<8x2048xf32, #tpu.memory_space<vmem>>[vector<16xi32>, vector<16xi32>], vector<16xf32>,
        %parallel_loop3A_903 = arith.constant 8 : i32
        %parallel_loop3A_904 = vector.broadcast %parallel_loop3A_903 : i32 to vector<16xi32>
        %parallel_loop3A_905 = arith.addi %parallel_loop3A_870, %parallel_loop3A_904 : vector<16xi32>
        %parallel_loop3A_906 = tpu.vector_load_idx %arg6[%parallel_loop3A_857, %parallel_loop3A_864, %parallel_loop3A_905] : memref<2x8x2048xf32, #tpu.memory_space<vmem>>[vector<16xi32>, vector<16xi32>, vector<16xi32>], vector<16xf32>,
        tpu.vector_store_idx %arg8[%parallel_loop3A_864, %parallel_loop3A_905], %parallel_loop3A_906 : memref<8x2048xf32, #tpu.memory_space<vmem>>[vector<16xi32>, vector<16xi32>], vector<16xf32>,
        %parallel_loop3A_907 = arith.constant 9 : i32
        %parallel_loop3A_908 = vector.broadcast %parallel_loop3A_907 : i32 to vector<16xi32>
        %parallel_loop3A_909 = arith.addi %parallel_loop3A_870, %parallel_loop3A_908 : vector<16xi32>
        %parallel_loop3A_910 = tpu.vector_load_idx %arg6[%parallel_loop3A_857, %parallel_loop3A_864, %parallel_loop3A_909] : memref<2x8x2048xf32, #tpu.memory_space<vmem>>[vector<16xi32>, vector<16xi32>, vector<16xi32>], vector<16xf32>,
        tpu.vector_store_idx %arg8[%parallel_loop3A_864, %parallel_loop3A_909], %parallel_loop3A_910 : memref<8x2048xf32, #tpu.memory_space<vmem>>[vector<16xi32>, vector<16xi32>], vector<16xf32>,
        %parallel_loop3A_911 = arith.constant 10 : i32
        %parallel_loop3A_912 = vector.broadcast %parallel_loop3A_911 : i32 to vector<16xi32>
        %parallel_loop3A_913 = arith.addi %parallel_loop3A_870, %parallel_loop3A_912 : vector<16xi32>
        %parallel_loop3A_914 = tpu.vector_load_idx %arg6[%parallel_loop3A_857, %parallel_loop3A_864, %parallel_loop3A_913] : memref<2x8x2048xf32, #tpu.memory_space<vmem>>[vector<16xi32>, vector<16xi32>, vector<16xi32>], vector<16xf32>,
        tpu.vector_store_idx %arg8[%parallel_loop3A_864, %parallel_loop3A_913], %parallel_loop3A_914 : memref<8x2048xf32, #tpu.memory_space<vmem>>[vector<16xi32>, vector<16xi32>], vector<16xf32>,
        %parallel_loop3A_915 = arith.constant 11 : i32
        %parallel_loop3A_916 = vector.broadcast %parallel_loop3A_915 : i32 to vector<16xi32>
        %parallel_loop3A_917 = arith.addi %parallel_loop3A_870, %parallel_loop3A_916 : vector<16xi32>
        %parallel_loop3A_918 = tpu.vector_load_idx %arg6[%parallel_loop3A_857, %parallel_loop3A_864, %parallel_loop3A_917] : memref<2x8x2048xf32, #tpu.memory_space<vmem>>[vector<16xi32>, vector<16xi32>, vector<16xi32>], vector<16xf32>,
        tpu.vector_store_idx %arg8[%parallel_loop3A_864, %parallel_loop3A_917], %parallel_loop3A_918 : memref<8x2048xf32, #tpu.memory_space<vmem>>[vector<16xi32>, vector<16xi32>], vector<16xf32>,
        %parallel_loop3A_919 = arith.constant 12 : i32
        %parallel_loop3A_920 = vector.broadcast %parallel_loop3A_919 : i32 to vector<16xi32>
        %parallel_loop3A_921 = arith.addi %parallel_loop3A_870, %parallel_loop3A_920 : vector<16xi32>
        %parallel_loop3A_922 = tpu.vector_load_idx %arg6[%parallel_loop3A_857, %parallel_loop3A_864, %parallel_loop3A_921] : memref<2x8x2048xf32, #tpu.memory_space<vmem>>[vector<16xi32>, vector<16xi32>, vector<16xi32>], vector<16xf32>,
        tpu.vector_store_idx %arg8[%parallel_loop3A_864, %parallel_loop3A_921], %parallel_loop3A_922 : memref<8x2048xf32, #tpu.memory_space<vmem>>[vector<16xi32>, vector<16xi32>], vector<16xf32>,
        %parallel_loop3A_923 = arith.constant 13 : i32
        %parallel_loop3A_924 = vector.broadcast %parallel_loop3A_923 : i32 to vector<16xi32>
        %parallel_loop3A_925 = arith.addi %parallel_loop3A_870, %parallel_loop3A_924 : vector<16xi32>
        %parallel_loop3A_926 = tpu.vector_load_idx %arg6[%parallel_loop3A_857, %parallel_loop3A_864, %parallel_loop3A_925] : memref<2x8x2048xf32, #tpu.memory_space<vmem>>[vector<16xi32>, vector<16xi32>, vector<16xi32>], vector<16xf32>,
        tpu.vector_store_idx %arg8[%parallel_loop3A_864, %parallel_loop3A_925], %parallel_loop3A_926 : memref<8x2048xf32, #tpu.memory_space<vmem>>[vector<16xi32>, vector<16xi32>], vector<16xf32>,
        %parallel_loop3A_927 = arith.constant 14 : i32
        %parallel_loop3A_928 = vector.broadcast %parallel_loop3A_927 : i32 to vector<16xi32>
        %parallel_loop3A_929 = arith.addi %parallel_loop3A_870, %parallel_loop3A_928 : vector<16xi32>
        %parallel_loop3A_930 = tpu.vector_load_idx %arg6[%parallel_loop3A_857, %parallel_loop3A_864, %parallel_loop3A_929] : memref<2x8x2048xf32, #tpu.memory_space<vmem>>[vector<16xi32>, vector<16xi32>, vector<16xi32>], vector<16xf32>,
        tpu.vector_store_idx %arg8[%parallel_loop3A_864, %parallel_loop3A_929], %parallel_loop3A_930 : memref<8x2048xf32, #tpu.memory_space<vmem>>[vector<16xi32>, vector<16xi32>], vector<16xf32>,
        %parallel_loop3A_931 = arith.constant 15 : i32
        %parallel_loop3A_932 = vector.broadcast %parallel_loop3A_931 : i32 to vector<16xi32>
        %parallel_loop3A_933 = arith.addi %parallel_loop3A_870, %parallel_loop3A_932 : vector<16xi32>
        %parallel_loop3A_934 = tpu.vector_load_idx %arg6[%parallel_loop3A_857, %parallel_loop3A_864, %parallel_loop3A_933] : memref<2x8x2048xf32, #tpu.memory_space<vmem>>[vector<16xi32>, vector<16xi32>, vector<16xi32>], vector<16xf32>,
        tpu.vector_store_idx %arg8[%parallel_loop3A_864, %parallel_loop3A_933], %parallel_loop3A_934 : memref<8x2048xf32, #tpu.memory_space<vmem>>[vector<16xi32>, vector<16xi32>], vector<16xf32>,
      } {sc.loop_unroll_factor = 1 : i64, sc.parallel_access}
      %add3A_537 = arith.addi %mul3A_2, %add3A_416 : i32
      %jit3A_538 = arith.constant 2 : i32
      %div3A_539 = arith.divsi %add3A_537, %jit3A_538 : i32
      %sign3A_540 = arith.constant 0 : i32
      %sign3A_541 = arith.cmpi sgt, %add3A_537, %sign3A_540 : i32
      %sign3A_542 = arith.extui %sign3A_541 : i1 to i32
      %sign3A_543 = arith.constant 0 : i32
      %sign3A_544 = arith.cmpi slt, %add3A_537, %sign3A_543 : i32
      %sign3A_545 = arith.extui %sign3A_544 : i1 to i32
      %sign3A_546 = arith.subi %sign3A_542, %sign3A_545 : i32
      %sign3A_547 = arith.constant 0 : i32
      %sign3A_548 = arith.cmpi sgt, %jit3A_538, %sign3A_547 : i32
      %sign3A_549 = arith.extui %sign3A_548 : i1 to i32
      %sign3A_550 = arith.constant 0 : i32
      %sign3A_551 = arith.cmpi slt, %jit3A_538, %sign3A_550 : i32
      %sign3A_552 = arith.extui %sign3A_551 : i1 to i32
      %sign3A_553 = arith.subi %sign3A_549, %sign3A_552 : i32
      %ne3A_554 = arith.cmpi ne, %sign3A_546, %sign3A_553 : i32
      %rem3A_555 = arith.remsi %add3A_537, %jit3A_538 : i32
      %ne3A_556 = arith.constant 0 : i32
      %ne3A_557 = arith.cmpi ne, %rem3A_555, %ne3A_556 : i32
      %and3A_558 = arith.andi %ne3A_554, %ne3A_557 : i1
      %sub3A_559 = arith.constant 1 : i32
      %sub3A_560 = arith.subi %div3A_539, %sub3A_559 : i32
      %select_n3A_561 = arith.select %and3A_558, %sub3A_560, %div3A_539 : i32
      %mul3A_562 = arith.constant 8 : i32
      %mul3A_563 = arith.muli %select_n3A_561, %mul3A_562 : i32
      %jit3A_564 = arith.constant 4096 : i32
      %div3A_565 = arith.divsi %mul3A_563, %jit3A_564 : i32
      %sign3A_566 = arith.constant 0 : i32
      %sign3A_567 = arith.cmpi sgt, %mul3A_563, %sign3A_566 : i32
      %sign3A_568 = arith.extui %sign3A_567 : i1 to i32
      %sign3A_569 = arith.constant 0 : i32
      %sign3A_570 = arith.cmpi slt, %mul3A_563, %sign3A_569 : i32
      %sign3A_571 = arith.extui %sign3A_570 : i1 to i32
      %sign3A_572 = arith.subi %sign3A_568, %sign3A_571 : i32
      %sign3A_573 = arith.constant 0 : i32
      %sign3A_574 = arith.cmpi sgt, %jit3A_564, %sign3A_573 : i32
      %sign3A_575 = arith.extui %sign3A_574 : i1 to i32
      %sign3A_576 = arith.constant 0 : i32
      %sign3A_577 = arith.cmpi slt, %jit3A_564, %sign3A_576 : i32
      %sign3A_578 = arith.extui %sign3A_577 : i1 to i32
      %sign3A_579 = arith.subi %sign3A_575, %sign3A_578 : i32
      %ne3A_580 = arith.cmpi ne, %sign3A_572, %sign3A_579 : i32
      %rem3A_581 = arith.remsi %mul3A_563, %jit3A_564 : i32
      %ne3A_582 = arith.constant 0 : i32
      %ne3A_583 = arith.cmpi ne, %rem3A_581, %ne3A_582 : i32
      %and3A_584 = arith.andi %ne3A_580, %ne3A_583 : i1
      %sub3A_585 = arith.constant 1 : i32
      %sub3A_586 = arith.subi %div3A_565, %sub3A_585 : i32
      %select_n3A_587 = arith.select %and3A_584, %sub3A_586, %div3A_565 : i32
      %jit3A_588 = arith.constant 4096 : i32
      %eq3A_589 = arith.constant 0 : i32
      %eq3A_590 = arith.cmpi eq, %jit3A_588, %eq3A_589 : i32
      %jit3A_591 = arith.constant 1 : i32
      %select_n3A_592 = arith.select %eq3A_590, %jit3A_591, %jit3A_588 : i32
      %rem3A_593 = arith.remsi %mul3A_563, %select_n3A_592 : i32
      %ne3A_594 = arith.constant 0 : i32
      %ne3A_595 = arith.cmpi ne, %rem3A_593, %ne3A_594 : i32
      %lt3A_596 = arith.constant 0 : i32
      %lt3A_597 = arith.cmpi slt, %rem3A_593, %lt3A_596 : i32
      %lt3A_598 = arith.constant 0 : i32
      %lt3A_599 = arith.cmpi slt, %select_n3A_592, %lt3A_598 : i32
      %ne3A_600 = arith.xori %lt3A_597, %lt3A_599 : i1
      %and3A_601 = arith.andi %ne3A_600, %ne3A_595 : i1
      %add3A_602 = arith.addi %rem3A_593, %select_n3A_592 : i32
      %select_n3A_603 = arith.select %and3A_601, %add3A_602, %rem3A_593 : i32
      %jit3A_604 = arith.constant 2 : i32
      %eq3A_605 = arith.constant 0 : i32
      %eq3A_606 = arith.cmpi eq, %jit3A_604, %eq3A_605 : i32
      %jit3A_607 = arith.constant 1 : i32
      %select_n3A_608 = arith.select %eq3A_606, %jit3A_607, %jit3A_604 : i32
      %rem3A_609 = arith.remsi %add3A_537, %select_n3A_608 : i32
      %ne3A_610 = arith.constant 0 : i32
      %ne3A_611 = arith.cmpi ne, %rem3A_609, %ne3A_610 : i32
      %lt3A_612 = arith.constant 0 : i32
      %lt3A_613 = arith.cmpi slt, %rem3A_609, %lt3A_612 : i32
      %lt3A_614 = arith.constant 0 : i32
      %lt3A_615 = arith.cmpi slt, %select_n3A_608, %lt3A_614 : i32
      %ne3A_616 = arith.xori %lt3A_613, %lt3A_615 : i1
      %and3A_617 = arith.andi %ne3A_616, %ne3A_611 : i1
      %add3A_618 = arith.addi %rem3A_609, %select_n3A_608 : i32
      %select_n3A_619 = arith.select %and3A_617, %add3A_618, %rem3A_609 : i32
      %mul3A_620 = arith.constant 2048 : i32
      %mul3A_621 = arith.muli %select_n3A_619, %mul3A_620 : i32
      %dma_start3A_622 = tpu.memref_slice %arg5[%select_n3A_587, %select_n3A_603, %mul3A_621] : memref<3x4096x4096xf32, #tpu.memory_space<hbm>> -> memref<1x8x2048xf32, #tpu.memory_space<hbm>>
      %dma_start3A_623 = tpu.memref_squeeze %dma_start3A_622 : memref<1x8x2048xf32, #tpu.memory_space<hbm>> -> memref<8x2048xf32, #tpu.memory_space<hbm>>
      %dma_start3A_624 = tpu.memref_slice %arg5[%select_n3A_587, %select_n3A_603, %mul3A_621] : memref<3x4096x4096xf32, #tpu.memory_space<hbm>> -> memref<1x8x2048xf32, #tpu.memory_space<hbm>>
      %dma_start3A_625 = tpu.memref_squeeze %dma_start3A_624 : memref<1x8x2048xf32, #tpu.memory_space<hbm>> -> memref<8x2048xf32, #tpu.memory_space<hbm>>
      tpu.enqueue_dma source(%arg8 : memref<8x2048xf32, #tpu.memory_space<vmem>>) target(%dma_start3A_625 : memref<8x2048xf32, #tpu.memory_space<hbm>>) target_semaphore(%arg14 : memref<!tpu.dma_semaphore, #tpu.memory_space<semaphore_mem>>)
      %lt3A_626 = arith.constant 47 : i32
      %lt3A_627 = arith.cmpi slt, %scan3A_412, %lt3A_626 : i32
      %convert_element_type3A_628 = arith.extui %lt3A_627 : i1 to i32
      %cond3A_629 = arith.constant 0 : i32
      %cond3A_630 = arith.cmpi ne, %convert_element_type3A_628, %cond3A_629 : i32
      scf.if %cond3A_630 {
        %add3A_853 = arith.constant 2 : i32
        %add3A_854 = arith.addi %add3A_416, %add3A_853 : i32
        %add3A_855 = arith.addi %mul3A_2, %add3A_854 : i32
        %jit3A_856 = arith.constant 2 : i32
        %div3A_857 = arith.divsi %add3A_855, %jit3A_856 : i32
        %sign3A_858 = arith.constant 0 : i32
        %sign3A_859 = arith.cmpi sgt, %add3A_855, %sign3A_858 : i32
        %sign3A_860 = arith.extui %sign3A_859 : i1 to i32
        %sign3A_861 = arith.constant 0 : i32
        %sign3A_862 = arith.cmpi slt, %add3A_855, %sign3A_861 : i32
        %sign3A_863 = arith.extui %sign3A_862 : i1 to i32
        %sign3A_864 = arith.subi %sign3A_860, %sign3A_863 : i32
        %sign3A_865 = arith.constant 0 : i32
        %sign3A_866 = arith.cmpi sgt, %jit3A_856, %sign3A_865 : i32
        %sign3A_867 = arith.extui %sign3A_866 : i1 to i32
        %sign3A_868 = arith.constant 0 : i32
        %sign3A_869 = arith.cmpi slt, %jit3A_856, %sign3A_868 : i32
        %sign3A_870 = arith.extui %sign3A_869 : i1 to i32
        %sign3A_871 = arith.subi %sign3A_867, %sign3A_870 : i32
        %ne3A_872 = arith.cmpi ne, %sign3A_864, %sign3A_871 : i32
        %rem3A_873 = arith.remsi %add3A_855, %jit3A_856 : i32
        %ne3A_874 = arith.constant 0 : i32
        %ne3A_875 = arith.cmpi ne, %rem3A_873, %ne3A_874 : i32
        %and3A_876 = arith.andi %ne3A_872, %ne3A_875 : i1
        %sub3A_877 = arith.constant 1 : i32
        %sub3A_878 = arith.subi %div3A_857, %sub3A_877 : i32
        %select_n3A_879 = arith.select %and3A_876, %sub3A_878, %div3A_857 : i32
        %mul3A_880 = arith.constant 8 : i32
        %mul3A_881 = arith.muli %select_n3A_879, %mul3A_880 : i32
        %jit3A_882 = arith.constant 4096 : i32
        %div3A_883 = arith.divsi %mul3A_881, %jit3A_882 : i32
        %sign3A_884 = arith.constant 0 : i32
        %sign3A_885 = arith.cmpi sgt, %mul3A_881, %sign3A_884 : i32
        %sign3A_886 = arith.extui %sign3A_885 : i1 to i32
        %sign3A_887 = arith.constant 0 : i32
        %sign3A_888 = arith.cmpi slt, %mul3A_881, %sign3A_887 : i32
        %sign3A_889 = arith.extui %sign3A_888 : i1 to i32
        %sign3A_890 = arith.subi %sign3A_886, %sign3A_889 : i32
        %sign3A_891 = arith.constant 0 : i32
        %sign3A_892 = arith.cmpi sgt, %jit3A_882, %sign3A_891 : i32
        %sign3A_893 = arith.extui %sign3A_892 : i1 to i32
        %sign3A_894 = arith.constant 0 : i32
        %sign3A_895 = arith.cmpi slt, %jit3A_882, %sign3A_894 : i32
        %sign3A_896 = arith.extui %sign3A_895 : i1 to i32
        %sign3A_897 = arith.subi %sign3A_893, %sign3A_896 : i32
        %ne3A_898 = arith.cmpi ne, %sign3A_890, %sign3A_897 : i32
        %rem3A_899 = arith.remsi %mul3A_881, %jit3A_882 : i32
        %ne3A_900 = arith.constant 0 : i32
        %ne3A_901 = arith.cmpi ne, %rem3A_899, %ne3A_900 : i32
        %and3A_902 = arith.andi %ne3A_898, %ne3A_901 : i1
        %sub3A_903 = arith.constant 1 : i32
        %sub3A_904 = arith.subi %div3A_883, %sub3A_903 : i32
        %select_n3A_905 = arith.select %and3A_902, %sub3A_904, %div3A_883 : i32
        %jit3A_906 = arith.constant 4096 : i32
        %eq3A_907 = arith.constant 0 : i32
        %eq3A_908 = arith.cmpi eq, %jit3A_906, %eq3A_907 : i32
        %jit3A_909 = arith.constant 1 : i32
        %select_n3A_910 = arith.select %eq3A_908, %jit3A_909, %jit3A_906 : i32
        %rem3A_911 = arith.remsi %mul3A_881, %select_n3A_910 : i32
        %ne3A_912 = arith.constant 0 : i32
        %ne3A_913 = arith.cmpi ne, %rem3A_911, %ne3A_912 : i32
        %lt3A_914 = arith.constant 0 : i32
        %lt3A_915 = arith.cmpi slt, %rem3A_911, %lt3A_914 : i32
        %lt3A_916 = arith.constant 0 : i32
        %lt3A_917 = arith.cmpi slt, %select_n3A_910, %lt3A_916 : i32
        %ne3A_918 = arith.xori %lt3A_915, %lt3A_917 : i1
        %and3A_919 = arith.andi %ne3A_918, %ne3A_913 : i1
        %add3A_920 = arith.addi %rem3A_911, %select_n3A_910 : i32
        %select_n3A_921 = arith.select %and3A_919, %add3A_920, %rem3A_911 : i32
        %jit3A_922 = arith.constant 2 : i32
        %eq3A_923 = arith.constant 0 : i32
        %eq3A_924 = arith.cmpi eq, %jit3A_922, %eq3A_923 : i32
        %jit3A_925 = arith.constant 1 : i32
        %select_n3A_926 = arith.select %eq3A_924, %jit3A_925, %jit3A_922 : i32
        %rem3A_927 = arith.remsi %add3A_855, %select_n3A_926 : i32
        %ne3A_928 = arith.constant 0 : i32
        %ne3A_929 = arith.cmpi ne, %rem3A_927, %ne3A_928 : i32
        %lt3A_930 = arith.constant 0 : i32
        %lt3A_931 = arith.cmpi slt, %rem3A_927, %lt3A_930 : i32
        %lt3A_932 = arith.constant 0 : i32
        %lt3A_933 = arith.cmpi slt, %select_n3A_926, %lt3A_932 : i32
        %ne3A_934 = arith.xori %lt3A_931, %lt3A_933 : i1
        %and3A_935 = arith.andi %ne3A_934, %ne3A_929 : i1
        %add3A_936 = arith.addi %rem3A_927, %select_n3A_926 : i32
        %select_n3A_937 = arith.select %and3A_935, %add3A_936, %rem3A_927 : i32
        %mul3A_938 = arith.constant 2048 : i32
        %mul3A_939 = arith.muli %select_n3A_937, %mul3A_938 : i32
        %add3A_940 = arith.addi %mul3A_2, %add3A_854 : i32
        %mul3A_941 = arith.constant 1024 : i32
        %mul3A_942 = arith.muli %add3A_940, %mul3A_941 : i32
        %dma_start3A_943 = arith.constant 0 : i32
        %dma_start3A_944 = arith.constant 0 : i32
        %dma_start3A_945 = arith.constant 0 : i32
        %dma_start3A_946 = tpu.memref_slice %arg6[%dma_start3A_943, %dma_start3A_944, %dma_start3A_945] : memref<2x8x2048xf32, #tpu.memory_space<vmem>> -> memref<1x8x2048xf32, #tpu.memory_space<vmem>>
        %dma_start3A_947 = tpu.memref_squeeze %dma_start3A_946 : memref<1x8x2048xf32, #tpu.memory_space<vmem>> -> memref<8x2048xf32, #tpu.memory_space<vmem>>
        %dma_start3A_948 = tpu.memref_slice %arg2[%select_n3A_905, %select_n3A_921, %mul3A_939] : memref<3x4096x4096xf32, #tpu.memory_space<hbm>> -> memref<1x8x2048xf32, #tpu.memory_space<hbm>>
        %dma_start3A_949 = tpu.memref_squeeze %dma_start3A_948 : memref<1x8x2048xf32, #tpu.memory_space<hbm>> -> memref<8x2048xf32, #tpu.memory_space<hbm>>
        %dma_start3A_950 = arith.constant 0 : i32
        %dma_start3A_951 = arith.constant 0 : i32
        %dma_start3A_952 = tpu.memref_slice %arg6[%dma_start3A_943, %dma_start3A_950, %dma_start3A_951] : memref<2x8x2048xf32, #tpu.memory_space<vmem>> -> memref<1x8x2048xf32, #tpu.memory_space<vmem>>
        %dma_start3A_953 = tpu.memref_squeeze %dma_start3A_952 : memref<1x8x2048xf32, #tpu.memory_space<vmem>> -> memref<8x2048xf32, #tpu.memory_space<vmem>>
        %dma_start3A_954 = tpu.memref_slice %arg2[%select_n3A_905, %select_n3A_921, %mul3A_939] : memref<3x4096x4096xf32, #tpu.memory_space<hbm>> -> memref<1x8x2048xf32, #tpu.memory_space<hbm>>
        %dma_start3A_955 = tpu.memref_squeeze %dma_start3A_954 : memref<1x8x2048xf32, #tpu.memory_space<hbm>> -> memref<8x2048xf32, #tpu.memory_space<hbm>>
        tpu.enqueue_dma source(%dma_start3A_955 : memref<8x2048xf32, #tpu.memory_space<hbm>>) target(%dma_start3A_953 : memref<8x2048xf32, #tpu.memory_space<vmem>>) target_semaphore(%arg12 : memref<!tpu.dma_semaphore, #tpu.memory_space<semaphore_mem>>)
        %dma_start3A_956 = arith.constant 1 : i32
        %dma_start3A_957 = arith.constant 0 : i32
        %dma_start3A_958 = arith.constant 0 : i32
        %dma_start3A_959 = tpu.memref_slice %arg6[%dma_start3A_956, %dma_start3A_957, %dma_start3A_958] : memref<2x8x2048xf32, #tpu.memory_space<vmem>> -> memref<1x8x2048xf32, #tpu.memory_space<vmem>>
        %dma_start3A_960 = tpu.memref_squeeze %dma_start3A_959 : memref<1x8x2048xf32, #tpu.memory_space<vmem>> -> memref<8x2048xf32, #tpu.memory_space<vmem>>
        %dma_start3A_961 = tpu.memref_slice %arg3[%select_n3A_905, %select_n3A_921, %mul3A_939] : memref<3x4096x4096xf32, #tpu.memory_space<hbm>> -> memref<1x8x2048xf32, #tpu.memory_space<hbm>>
        %dma_start3A_962 = tpu.memref_squeeze %dma_start3A_961 : memref<1x8x2048xf32, #tpu.memory_space<hbm>> -> memref<8x2048xf32, #tpu.memory_space<hbm>>
        %dma_start3A_963 = arith.constant 0 : i32
        %dma_start3A_964 = arith.constant 0 : i32
        %dma_start3A_965 = tpu.memref_slice %arg6[%dma_start3A_956, %dma_start3A_963, %dma_start3A_964] : memref<2x8x2048xf32, #tpu.memory_space<vmem>> -> memref<1x8x2048xf32, #tpu.memory_space<vmem>>
        %dma_start3A_966 = tpu.memref_squeeze %dma_start3A_965 : memref<1x8x2048xf32, #tpu.memory_space<vmem>> -> memref<8x2048xf32, #tpu.memory_space<vmem>>
        %dma_start3A_967 = tpu.memref_slice %arg3[%select_n3A_905, %select_n3A_921, %mul3A_939] : memref<3x4096x4096xf32, #tpu.memory_space<hbm>> -> memref<1x8x2048xf32, #tpu.memory_space<hbm>>
        %dma_start3A_968 = tpu.memref_squeeze %dma_start3A_967 : memref<1x8x2048xf32, #tpu.memory_space<hbm>> -> memref<8x2048xf32, #tpu.memory_space<hbm>>
        tpu.enqueue_dma source(%dma_start3A_968 : memref<8x2048xf32, #tpu.memory_space<hbm>>) target(%dma_start3A_966 : memref<8x2048xf32, #tpu.memory_space<vmem>>) target_semaphore(%arg12 : memref<!tpu.dma_semaphore, #tpu.memory_space<semaphore_mem>>)
        %dma_start3A_969 = tpu.memref_slice %arg4[%mul3A_942] : memref<3145728xi32, #tpu.memory_space<hbm>> -> memref<1024xi32, #tpu.memory_space<hbm>>
        %dma_start3A_970 = tpu.memref_slice %arg4[%mul3A_942] : memref<3145728xi32, #tpu.memory_space<hbm>> -> memref<1024xi32, #tpu.memory_space<hbm>>
        tpu.enqueue_dma source(%dma_start3A_970 : memref<1024xi32, #tpu.memory_space<hbm>>) target(%arg10 : memref<1024xi32, #tpu.memory_space<vmem>>) target_semaphore(%arg12 : memref<!tpu.dma_semaphore, #tpu.memory_space<semaphore_mem>>)
      } else {
      }
      %mul3A_631 = arith.constant 2 : i32
      %mul3A_632 = arith.muli %scan3A_412, %mul3A_631 : i32
      %add3A_633 = arith.constant 1 : i32
      %add3A_634 = arith.addi %mul3A_632, %add3A_633 : i32
      %add3A_635 = arith.addi %mul3A_2, %add3A_634 : i32
      %jit3A_636 = arith.constant 2 : i32
      %div3A_637 = arith.divsi %add3A_635, %jit3A_636 : i32
      %sign3A_638 = arith.constant 0 : i32
      %sign3A_639 = arith.cmpi sgt, %add3A_635, %sign3A_638 : i32
      %sign3A_640 = arith.extui %sign3A_639 : i1 to i32
      %sign3A_641 = arith.constant 0 : i32
      %sign3A_642 = arith.cmpi slt, %add3A_635, %sign3A_641 : i32
      %sign3A_643 = arith.extui %sign3A_642 : i1 to i32
      %sign3A_644 = arith.subi %sign3A_640, %sign3A_643 : i32
      %sign3A_645 = arith.constant 0 : i32
      %sign3A_646 = arith.cmpi sgt, %jit3A_636, %sign3A_645 : i32
      %sign3A_647 = arith.extui %sign3A_646 : i1 to i32
      %sign3A_648 = arith.constant 0 : i32
      %sign3A_649 = arith.cmpi slt, %jit3A_636, %sign3A_648 : i32
      %sign3A_650 = arith.extui %sign3A_649 : i1 to i32
      %sign3A_651 = arith.subi %sign3A_647, %sign3A_650 : i32
      %ne3A_652 = arith.cmpi ne, %sign3A_644, %sign3A_651 : i32
      %rem3A_653 = arith.remsi %add3A_635, %jit3A_636 : i32
      %ne3A_654 = arith.constant 0 : i32
      %ne3A_655 = arith.cmpi ne, %rem3A_653, %ne3A_654 : i32
      %and3A_656 = arith.andi %ne3A_652, %ne3A_655 : i1
      %sub3A_657 = arith.constant 1 : i32
      %sub3A_658 = arith.subi %div3A_637, %sub3A_657 : i32
      %select_n3A_659 = arith.select %and3A_656, %sub3A_658, %div3A_637 : i32
      %mul3A_660 = arith.constant 8 : i32
      %mul3A_661 = arith.muli %select_n3A_659, %mul3A_660 : i32
      %jit3A_662 = arith.constant 4096 : i32
      %div3A_663 = arith.divsi %mul3A_661, %jit3A_662 : i32
      %sign3A_664 = arith.constant 0 : i32
      %sign3A_665 = arith.cmpi sgt, %mul3A_661, %sign3A_664 : i32
      %sign3A_666 = arith.extui %sign3A_665 : i1 to i32
      %sign3A_667 = arith.constant 0 : i32
      %sign3A_668 = arith.cmpi slt, %mul3A_661, %sign3A_667 : i32
      %sign3A_669 = arith.extui %sign3A_668 : i1 to i32
      %sign3A_670 = arith.subi %sign3A_666, %sign3A_669 : i32
      %sign3A_671 = arith.constant 0 : i32
      %sign3A_672 = arith.cmpi sgt, %jit3A_662, %sign3A_671 : i32
      %sign3A_673 = arith.extui %sign3A_672 : i1 to i32
      %sign3A_674 = arith.constant 0 : i32
      %sign3A_675 = arith.cmpi slt, %jit3A_662, %sign3A_674 : i32
      %sign3A_676 = arith.extui %sign3A_675 : i1 to i32
      %sign3A_677 = arith.subi %sign3A_673, %sign3A_676 : i32
      %ne3A_678 = arith.cmpi ne, %sign3A_670, %sign3A_677 : i32
      %rem3A_679 = arith.remsi %mul3A_661, %jit3A_662 : i32
      %ne3A_680 = arith.constant 0 : i32
      %ne3A_681 = arith.cmpi ne, %rem3A_679, %ne3A_680 : i32
      %and3A_682 = arith.andi %ne3A_678, %ne3A_681 : i1
      %sub3A_683 = arith.constant 1 : i32
      %sub3A_684 = arith.subi %div3A_663, %sub3A_683 : i32
      %select_n3A_685 = arith.select %and3A_682, %sub3A_684, %div3A_663 : i32
      %jit3A_686 = arith.constant 4096 : i32
      %eq3A_687 = arith.constant 0 : i32
      %eq3A_688 = arith.cmpi eq, %jit3A_686, %eq3A_687 : i32
      %jit3A_689 = arith.constant 1 : i32
      %select_n3A_690 = arith.select %eq3A_688, %jit3A_689, %jit3A_686 : i32
      %rem3A_691 = arith.remsi %mul3A_661, %select_n3A_690 : i32
      %ne3A_692 = arith.constant 0 : i32
      %ne3A_693 = arith.cmpi ne, %rem3A_691, %ne3A_692 : i32
      %lt3A_694 = arith.constant 0 : i32
      %lt3A_695 = arith.cmpi slt, %rem3A_691, %lt3A_694 : i32
      %lt3A_696 = arith.constant 0 : i32
      %lt3A_697 = arith.cmpi slt, %select_n3A_690, %lt3A_696 : i32
      %ne3A_698 = arith.xori %lt3A_695, %lt3A_697 : i1
      %and3A_699 = arith.andi %ne3A_698, %ne3A_693 : i1
      %add3A_700 = arith.addi %rem3A_691, %select_n3A_690 : i32
      %select_n3A_701 = arith.select %and3A_699, %add3A_700, %rem3A_691 : i32
      %jit3A_702 = arith.constant 2 : i32
      %eq3A_703 = arith.constant 0 : i32
      %eq3A_704 = arith.cmpi eq, %jit3A_702, %eq3A_703 : i32
      %jit3A_705 = arith.constant 1 : i32
      %select_n3A_706 = arith.select %eq3A_704, %jit3A_705, %jit3A_702 : i32
      %rem3A_707 = arith.remsi %add3A_635, %select_n3A_706 : i32
      %ne3A_708 = arith.constant 0 : i32
      %ne3A_709 = arith.cmpi ne, %rem3A_707, %ne3A_708 : i32
      %lt3A_710 = arith.constant 0 : i32
      %lt3A_711 = arith.cmpi slt, %rem3A_707, %lt3A_710 : i32
      %lt3A_712 = arith.constant 0 : i32
      %lt3A_713 = arith.cmpi slt, %select_n3A_706, %lt3A_712 : i32
      %ne3A_714 = arith.xori %lt3A_711, %lt3A_713 : i1
      %and3A_715 = arith.andi %ne3A_714, %ne3A_709 : i1
      %add3A_716 = arith.addi %rem3A_707, %select_n3A_706 : i32
      %select_n3A_717 = arith.select %and3A_715, %add3A_716, %rem3A_707 : i32
      %mul3A_718 = arith.constant 2048 : i32
      %mul3A_719 = arith.muli %select_n3A_717, %mul3A_718 : i32
      %add3A_720 = arith.addi %mul3A_2, %add3A_634 : i32
      %mul3A_721 = arith.constant 1024 : i32
      %mul3A_722 = arith.muli %add3A_720, %mul3A_721 : i32
      %dma_wait3A_723 = arith.constant 0 : i32
      %dma_wait3A_724 = arith.constant 0 : i32
      %dma_wait3A_725 = arith.constant 0 : i32
      %dma_wait3A_726 = tpu.memref_slice %arg7[%dma_wait3A_723, %dma_wait3A_724, %dma_wait3A_725] : memref<2x8x2048xf32, #tpu.memory_space<vmem>> -> memref<1x8x2048xf32, #tpu.memory_space<vmem>>
      %dma_wait3A_727 = tpu.memref_squeeze %dma_wait3A_726 : memref<1x8x2048xf32, #tpu.memory_space<vmem>> -> memref<8x2048xf32, #tpu.memory_space<vmem>>
      %dma_wait3A_728 = tpu.memref_slice %arg2[%select_n3A_685, %select_n3A_701, %mul3A_719] : memref<3x4096x4096xf32, #tpu.memory_space<hbm>> -> memref<1x8x2048xf32, #tpu.memory_space<hbm>>
      %dma_wait3A_729 = tpu.memref_squeeze %dma_wait3A_728 : memref<1x8x2048xf32, #tpu.memory_space<hbm>> -> memref<8x2048xf32, #tpu.memory_space<hbm>>
      %dma_wait3A_730 = arith.constant 0 : i32
      %dma_wait3A_731 = arith.constant 0 : i32
      %dma_wait3A_732 = tpu.memref_slice %arg7[%dma_wait3A_723, %dma_wait3A_730, %dma_wait3A_731] : memref<2x8x2048xf32, #tpu.memory_space<vmem>> -> memref<1x8x2048xf32, #tpu.memory_space<vmem>>
      %dma_wait3A_733 = tpu.memref_squeeze %dma_wait3A_732 : memref<1x8x2048xf32, #tpu.memory_space<vmem>> -> memref<8x2048xf32, #tpu.memory_space<vmem>>
      %dma_wait3A_734 = tpu.memref_slice %arg2[%select_n3A_685, %select_n3A_701, %mul3A_719] : memref<3x4096x4096xf32, #tpu.memory_space<hbm>> -> memref<1x8x2048xf32, #tpu.memory_space<hbm>>
      %dma_wait3A_735 = tpu.memref_squeeze %dma_wait3A_734 : memref<1x8x2048xf32, #tpu.memory_space<hbm>> -> memref<8x2048xf32, #tpu.memory_space<hbm>>
      tpu.wait_dma2 semaphore(%arg13 : memref<!tpu.dma_semaphore, #tpu.memory_space<semaphore_mem>>) src(%dma_wait3A_735 : memref<8x2048xf32, #tpu.memory_space<hbm>>) dst(%dma_wait3A_733 : memref<8x2048xf32, #tpu.memory_space<vmem>>)
      %dma_wait3A_736 = arith.constant 1 : i32
      %dma_wait3A_737 = arith.constant 0 : i32
      %dma_wait3A_738 = arith.constant 0 : i32
      %dma_wait3A_739 = tpu.memref_slice %arg7[%dma_wait3A_736, %dma_wait3A_737, %dma_wait3A_738] : memref<2x8x2048xf32, #tpu.memory_space<vmem>> -> memref<1x8x2048xf32, #tpu.memory_space<vmem>>
      %dma_wait3A_740 = tpu.memref_squeeze %dma_wait3A_739 : memref<1x8x2048xf32, #tpu.memory_space<vmem>> -> memref<8x2048xf32, #tpu.memory_space<vmem>>
      %dma_wait3A_741 = tpu.memref_slice %arg3[%select_n3A_685, %select_n3A_701, %mul3A_719] : memref<3x4096x4096xf32, #tpu.memory_space<hbm>> -> memref<1x8x2048xf32, #tpu.memory_space<hbm>>
      %dma_wait3A_742 = tpu.memref_squeeze %dma_wait3A_741 : memref<1x8x2048xf32, #tpu.memory_space<hbm>> -> memref<8x2048xf32, #tpu.memory_space<hbm>>
      %dma_wait3A_743 = arith.constant 0 : i32
      %dma_wait3A_744 = arith.constant 0 : i32
      %dma_wait3A_745 = tpu.memref_slice %arg7[%dma_wait3A_736, %dma_wait3A_743, %dma_wait3A_744] : memref<2x8x2048xf32, #tpu.memory_space<vmem>> -> memref<1x8x2048xf32, #tpu.memory_space<vmem>>
      %dma_wait3A_746 = tpu.memref_squeeze %dma_wait3A_745 : memref<1x8x2048xf32, #tpu.memory_space<vmem>> -> memref<8x2048xf32, #tpu.memory_space<vmem>>
      %dma_wait3A_747 = tpu.memref_slice %arg3[%select_n3A_685, %select_n3A_701, %mul3A_719] : memref<3x4096x4096xf32, #tpu.memory_space<hbm>> -> memref<1x8x2048xf32, #tpu.memory_space<hbm>>
      %dma_wait3A_748 = tpu.memref_squeeze %dma_wait3A_747 : memref<1x8x2048xf32, #tpu.memory_space<hbm>> -> memref<8x2048xf32, #tpu.memory_space<hbm>>
      tpu.wait_dma2 semaphore(%arg13 : memref<!tpu.dma_semaphore, #tpu.memory_space<semaphore_mem>>) src(%dma_wait3A_748 : memref<8x2048xf32, #tpu.memory_space<hbm>>) dst(%dma_wait3A_746 : memref<8x2048xf32, #tpu.memory_space<vmem>>)
      %dma_wait3A_749 = tpu.memref_slice %arg4[%mul3A_722] : memref<3145728xi32, #tpu.memory_space<hbm>> -> memref<1024xi32, #tpu.memory_space<hbm>>
      %dma_wait3A_750 = tpu.memref_slice %arg4[%mul3A_722] : memref<3145728xi32, #tpu.memory_space<hbm>> -> memref<1024xi32, #tpu.memory_space<hbm>>
      tpu.wait_dma2 semaphore(%arg13 : memref<!tpu.dma_semaphore, #tpu.memory_space<semaphore_mem>>) src(%dma_wait3A_750 : memref<1024xi32, #tpu.memory_space<hbm>>) dst(%arg11 : memref<1024xi32, #tpu.memory_space<vmem>>)
      %gt3A_751 = arith.constant 0 : i32
      %gt3A_752 = arith.cmpi sgt, %scan3A_412, %gt3A_751 : i32
      %convert_element_type3A_753 = arith.extui %gt3A_752 : i1 to i32
      %cond3A_754 = arith.constant 0 : i32
      %cond3A_755 = arith.cmpi ne, %convert_element_type3A_753, %cond3A_754 : i32
      scf.if %cond3A_755 {
        %sub3A_853 = arith.constant 2 : i32
        %sub3A_854 = arith.subi %add3A_634, %sub3A_853 : i32
        %add3A_855 = arith.addi %mul3A_2, %sub3A_854 : i32
        %jit3A_856 = arith.constant 2 : i32
        %div3A_857 = arith.divsi %add3A_855, %jit3A_856 : i32
        %sign3A_858 = arith.constant 0 : i32
        %sign3A_859 = arith.cmpi sgt, %add3A_855, %sign3A_858 : i32
        %sign3A_860 = arith.extui %sign3A_859 : i1 to i32
        %sign3A_861 = arith.constant 0 : i32
        %sign3A_862 = arith.cmpi slt, %add3A_855, %sign3A_861 : i32
        %sign3A_863 = arith.extui %sign3A_862 : i1 to i32
        %sign3A_864 = arith.subi %sign3A_860, %sign3A_863 : i32
        %sign3A_865 = arith.constant 0 : i32
        %sign3A_866 = arith.cmpi sgt, %jit3A_856, %sign3A_865 : i32
        %sign3A_867 = arith.extui %sign3A_866 : i1 to i32
        %sign3A_868 = arith.constant 0 : i32
        %sign3A_869 = arith.cmpi slt, %jit3A_856, %sign3A_868 : i32
        %sign3A_870 = arith.extui %sign3A_869 : i1 to i32
        %sign3A_871 = arith.subi %sign3A_867, %sign3A_870 : i32
        %ne3A_872 = arith.cmpi ne, %sign3A_864, %sign3A_871 : i32
        %rem3A_873 = arith.remsi %add3A_855, %jit3A_856 : i32
        %ne3A_874 = arith.constant 0 : i32
        %ne3A_875 = arith.cmpi ne, %rem3A_873, %ne3A_874 : i32
        %and3A_876 = arith.andi %ne3A_872, %ne3A_875 : i1
        %sub3A_877 = arith.constant 1 : i32
        %sub3A_878 = arith.subi %div3A_857, %sub3A_877 : i32
        %select_n3A_879 = arith.select %and3A_876, %sub3A_878, %div3A_857 : i32
        %mul3A_880 = arith.constant 8 : i32
        %mul3A_881 = arith.muli %select_n3A_879, %mul3A_880 : i32
        %jit3A_882 = arith.constant 4096 : i32
        %div3A_883 = arith.divsi %mul3A_881, %jit3A_882 : i32
        %sign3A_884 = arith.constant 0 : i32
        %sign3A_885 = arith.cmpi sgt, %mul3A_881, %sign3A_884 : i32
        %sign3A_886 = arith.extui %sign3A_885 : i1 to i32
        %sign3A_887 = arith.constant 0 : i32
        %sign3A_888 = arith.cmpi slt, %mul3A_881, %sign3A_887 : i32
        %sign3A_889 = arith.extui %sign3A_888 : i1 to i32
        %sign3A_890 = arith.subi %sign3A_886, %sign3A_889 : i32
        %sign3A_891 = arith.constant 0 : i32
        %sign3A_892 = arith.cmpi sgt, %jit3A_882, %sign3A_891 : i32
        %sign3A_893 = arith.extui %sign3A_892 : i1 to i32
        %sign3A_894 = arith.constant 0 : i32
        %sign3A_895 = arith.cmpi slt, %jit3A_882, %sign3A_894 : i32
        %sign3A_896 = arith.extui %sign3A_895 : i1 to i32
        %sign3A_897 = arith.subi %sign3A_893, %sign3A_896 : i32
        %ne3A_898 = arith.cmpi ne, %sign3A_890, %sign3A_897 : i32
        %rem3A_899 = arith.remsi %mul3A_881, %jit3A_882 : i32
        %ne3A_900 = arith.constant 0 : i32
        %ne3A_901 = arith.cmpi ne, %rem3A_899, %ne3A_900 : i32
        %and3A_902 = arith.andi %ne3A_898, %ne3A_901 : i1
        %sub3A_903 = arith.constant 1 : i32
        %sub3A_904 = arith.subi %div3A_883, %sub3A_903 : i32
        %select_n3A_905 = arith.select %and3A_902, %sub3A_904, %div3A_883 : i32
        %jit3A_906 = arith.constant 4096 : i32
        %eq3A_907 = arith.constant 0 : i32
        %eq3A_908 = arith.cmpi eq, %jit3A_906, %eq3A_907 : i32
        %jit3A_909 = arith.constant 1 : i32
        %select_n3A_910 = arith.select %eq3A_908, %jit3A_909, %jit3A_906 : i32
        %rem3A_911 = arith.remsi %mul3A_881, %select_n3A_910 : i32
        %ne3A_912 = arith.constant 0 : i32
        %ne3A_913 = arith.cmpi ne, %rem3A_911, %ne3A_912 : i32
        %lt3A_914 = arith.constant 0 : i32
        %lt3A_915 = arith.cmpi slt, %rem3A_911, %lt3A_914 : i32
        %lt3A_916 = arith.constant 0 : i32
        %lt3A_917 = arith.cmpi slt, %select_n3A_910, %lt3A_916 : i32
        %ne3A_918 = arith.xori %lt3A_915, %lt3A_917 : i1
        %and3A_919 = arith.andi %ne3A_918, %ne3A_913 : i1
        %add3A_920 = arith.addi %rem3A_911, %select_n3A_910 : i32
        %select_n3A_921 = arith.select %and3A_919, %add3A_920, %rem3A_911 : i32
        %jit3A_922 = arith.constant 2 : i32
        %eq3A_923 = arith.constant 0 : i32
        %eq3A_924 = arith.cmpi eq, %jit3A_922, %eq3A_923 : i32
        %jit3A_925 = arith.constant 1 : i32
        %select_n3A_926 = arith.select %eq3A_924, %jit3A_925, %jit3A_922 : i32
        %rem3A_927 = arith.remsi %add3A_855, %select_n3A_926 : i32
        %ne3A_928 = arith.constant 0 : i32
        %ne3A_929 = arith.cmpi ne, %rem3A_927, %ne3A_928 : i32
        %lt3A_930 = arith.constant 0 : i32
        %lt3A_931 = arith.cmpi slt, %rem3A_927, %lt3A_930 : i32
        %lt3A_932 = arith.constant 0 : i32
        %lt3A_933 = arith.cmpi slt, %select_n3A_926, %lt3A_932 : i32
        %ne3A_934 = arith.xori %lt3A_931, %lt3A_933 : i1
        %and3A_935 = arith.andi %ne3A_934, %ne3A_929 : i1
        %add3A_936 = arith.addi %rem3A_927, %select_n3A_926 : i32
        %select_n3A_937 = arith.select %and3A_935, %add3A_936, %rem3A_927 : i32
        %mul3A_938 = arith.constant 2048 : i32
        %mul3A_939 = arith.muli %select_n3A_937, %mul3A_938 : i32
        %dma_wait3A_940 = tpu.memref_slice %arg5[%select_n3A_905, %select_n3A_921, %mul3A_939] : memref<3x4096x4096xf32, #tpu.memory_space<hbm>> -> memref<1x8x2048xf32, #tpu.memory_space<hbm>>
        %dma_wait3A_941 = tpu.memref_squeeze %dma_wait3A_940 : memref<1x8x2048xf32, #tpu.memory_space<hbm>> -> memref<8x2048xf32, #tpu.memory_space<hbm>>
        %dma_wait3A_942 = tpu.memref_slice %arg5[%select_n3A_905, %select_n3A_921, %mul3A_939] : memref<3x4096x4096xf32, #tpu.memory_space<hbm>> -> memref<1x8x2048xf32, #tpu.memory_space<hbm>>
        %dma_wait3A_943 = tpu.memref_squeeze %dma_wait3A_942 : memref<1x8x2048xf32, #tpu.memory_space<hbm>> -> memref<8x2048xf32, #tpu.memory_space<hbm>>
        tpu.wait_dma2 semaphore(%arg15 : memref<!tpu.dma_semaphore, #tpu.memory_space<semaphore_mem>>) src(%arg9 : memref<8x2048xf32, #tpu.memory_space<vmem>>) dst(%dma_wait3A_943 : memref<8x2048xf32, #tpu.memory_space<hbm>>)
      } else {
      }
      %parallel_loop3A_756 = arith.constant 0 : i32
      %parallel_loop3A_757 = arith.constant 64 : i32
      %parallel_loop3A_758 = arith.constant 1 : i32
      scf.for %parallel_loop3A_853 = %parallel_loop3A_756 to %parallel_loop3A_757 step %parallel_loop3A_758  : i32 {
        %parallel_loop3A_854 = arith.constant 16 : i32
        %parallel_loop3A_855 = arith.muli %parallel_loop3A_853, %parallel_loop3A_854 : i32
        %parallel_loop3A_856 = arith.index_cast %parallel_loop3A_855 : i32 to index
        %parallel_loop3A_857 = tpu.vector_load %arg11[%parallel_loop3A_856] {strides = array<i32>} : memref<1024xi32, #tpu.memory_space<vmem>>, vector<16xi32>,
        %parallel_loop3A_858 = arith.constant 16 : i32
        %parallel_loop3A_859 = arith.muli %parallel_loop3A_853, %parallel_loop3A_858 : i32
        %parallel_loop3A_860 = vector.broadcast %parallel_loop3A_859 : i32 to vector<16xi32>
        %parallel_loop3A_861 = arith.addi %parallel_loop3A_860, %iota3A : vector<16xi32>
        %parallel_loop3A_862 = arith.constant 7 : i32
        %parallel_loop3A_863 = vector.broadcast %parallel_loop3A_862 : i32 to vector<16xi32>
        %parallel_loop3A_864 = arith.shrui %parallel_loop3A_861, %parallel_loop3A_863 : vector<16xi32>
        %parallel_loop3A_865 = arith.constant 127 : i32
        %parallel_loop3A_866 = vector.broadcast %parallel_loop3A_865 : i32 to vector<16xi32>
        %parallel_loop3A_867 = arith.andi %parallel_loop3A_861, %parallel_loop3A_866 : vector<16xi32>
        %parallel_loop3A_868 = arith.constant 4 : i32
        %parallel_loop3A_869 = vector.broadcast %parallel_loop3A_868 : i32 to vector<16xi32>
        %parallel_loop3A_870 = arith.shli %parallel_loop3A_867, %parallel_loop3A_869 : vector<16xi32>
        %parallel_loop3A_871 = arith.constant 0 : i32
        %parallel_loop3A_872 = vector.broadcast %parallel_loop3A_871 : i32 to vector<16xi32>
        %parallel_loop3A_873 = arith.addi %parallel_loop3A_870, %parallel_loop3A_872 : vector<16xi32>
        %parallel_loop3A_874 = tpu.vector_load_idx %arg7[%parallel_loop3A_857, %parallel_loop3A_864, %parallel_loop3A_873] : memref<2x8x2048xf32, #tpu.memory_space<vmem>>[vector<16xi32>, vector<16xi32>, vector<16xi32>], vector<16xf32>,
        tpu.vector_store_idx %arg9[%parallel_loop3A_864, %parallel_loop3A_873], %parallel_loop3A_874 : memref<8x2048xf32, #tpu.memory_space<vmem>>[vector<16xi32>, vector<16xi32>], vector<16xf32>,
        %parallel_loop3A_875 = arith.constant 1 : i32
        %parallel_loop3A_876 = vector.broadcast %parallel_loop3A_875 : i32 to vector<16xi32>
        %parallel_loop3A_877 = arith.addi %parallel_loop3A_870, %parallel_loop3A_876 : vector<16xi32>
        %parallel_loop3A_878 = tpu.vector_load_idx %arg7[%parallel_loop3A_857, %parallel_loop3A_864, %parallel_loop3A_877] : memref<2x8x2048xf32, #tpu.memory_space<vmem>>[vector<16xi32>, vector<16xi32>, vector<16xi32>], vector<16xf32>,
        tpu.vector_store_idx %arg9[%parallel_loop3A_864, %parallel_loop3A_877], %parallel_loop3A_878 : memref<8x2048xf32, #tpu.memory_space<vmem>>[vector<16xi32>, vector<16xi32>], vector<16xf32>,
        %parallel_loop3A_879 = arith.constant 2 : i32
        %parallel_loop3A_880 = vector.broadcast %parallel_loop3A_879 : i32 to vector<16xi32>
        %parallel_loop3A_881 = arith.addi %parallel_loop3A_870, %parallel_loop3A_880 : vector<16xi32>
        %parallel_loop3A_882 = tpu.vector_load_idx %arg7[%parallel_loop3A_857, %parallel_loop3A_864, %parallel_loop3A_881] : memref<2x8x2048xf32, #tpu.memory_space<vmem>>[vector<16xi32>, vector<16xi32>, vector<16xi32>], vector<16xf32>,
        tpu.vector_store_idx %arg9[%parallel_loop3A_864, %parallel_loop3A_881], %parallel_loop3A_882 : memref<8x2048xf32, #tpu.memory_space<vmem>>[vector<16xi32>, vector<16xi32>], vector<16xf32>,
        %parallel_loop3A_883 = arith.constant 3 : i32
        %parallel_loop3A_884 = vector.broadcast %parallel_loop3A_883 : i32 to vector<16xi32>
        %parallel_loop3A_885 = arith.addi %parallel_loop3A_870, %parallel_loop3A_884 : vector<16xi32>
        %parallel_loop3A_886 = tpu.vector_load_idx %arg7[%parallel_loop3A_857, %parallel_loop3A_864, %parallel_loop3A_885] : memref<2x8x2048xf32, #tpu.memory_space<vmem>>[vector<16xi32>, vector<16xi32>, vector<16xi32>], vector<16xf32>,
        tpu.vector_store_idx %arg9[%parallel_loop3A_864, %parallel_loop3A_885], %parallel_loop3A_886 : memref<8x2048xf32, #tpu.memory_space<vmem>>[vector<16xi32>, vector<16xi32>], vector<16xf32>,
        %parallel_loop3A_887 = arith.constant 4 : i32
        %parallel_loop3A_888 = vector.broadcast %parallel_loop3A_887 : i32 to vector<16xi32>
        %parallel_loop3A_889 = arith.addi %parallel_loop3A_870, %parallel_loop3A_888 : vector<16xi32>
        %parallel_loop3A_890 = tpu.vector_load_idx %arg7[%parallel_loop3A_857, %parallel_loop3A_864, %parallel_loop3A_889] : memref<2x8x2048xf32, #tpu.memory_space<vmem>>[vector<16xi32>, vector<16xi32>, vector<16xi32>], vector<16xf32>,
        tpu.vector_store_idx %arg9[%parallel_loop3A_864, %parallel_loop3A_889], %parallel_loop3A_890 : memref<8x2048xf32, #tpu.memory_space<vmem>>[vector<16xi32>, vector<16xi32>], vector<16xf32>,
        %parallel_loop3A_891 = arith.constant 5 : i32
        %parallel_loop3A_892 = vector.broadcast %parallel_loop3A_891 : i32 to vector<16xi32>
        %parallel_loop3A_893 = arith.addi %parallel_loop3A_870, %parallel_loop3A_892 : vector<16xi32>
        %parallel_loop3A_894 = tpu.vector_load_idx %arg7[%parallel_loop3A_857, %parallel_loop3A_864, %parallel_loop3A_893] : memref<2x8x2048xf32, #tpu.memory_space<vmem>>[vector<16xi32>, vector<16xi32>, vector<16xi32>], vector<16xf32>,
        tpu.vector_store_idx %arg9[%parallel_loop3A_864, %parallel_loop3A_893], %parallel_loop3A_894 : memref<8x2048xf32, #tpu.memory_space<vmem>>[vector<16xi32>, vector<16xi32>], vector<16xf32>,
        %parallel_loop3A_895 = arith.constant 6 : i32
        %parallel_loop3A_896 = vector.broadcast %parallel_loop3A_895 : i32 to vector<16xi32>
        %parallel_loop3A_897 = arith.addi %parallel_loop3A_870, %parallel_loop3A_896 : vector<16xi32>
        %parallel_loop3A_898 = tpu.vector_load_idx %arg7[%parallel_loop3A_857, %parallel_loop3A_864, %parallel_loop3A_897] : memref<2x8x2048xf32, #tpu.memory_space<vmem>>[vector<16xi32>, vector<16xi32>, vector<16xi32>], vector<16xf32>,
        tpu.vector_store_idx %arg9[%parallel_loop3A_864, %parallel_loop3A_897], %parallel_loop3A_898 : memref<8x2048xf32, #tpu.memory_space<vmem>>[vector<16xi32>, vector<16xi32>], vector<16xf32>,
        %parallel_loop3A_899 = arith.constant 7 : i32
        %parallel_loop3A_900 = vector.broadcast %parallel_loop3A_899 : i32 to vector<16xi32>
        %parallel_loop3A_901 = arith.addi %parallel_loop3A_870, %parallel_loop3A_900 : vector<16xi32>
        %parallel_loop3A_902 = tpu.vector_load_idx %arg7[%parallel_loop3A_857, %parallel_loop3A_864, %parallel_loop3A_901] : memref<2x8x2048xf32, #tpu.memory_space<vmem>>[vector<16xi32>, vector<16xi32>, vector<16xi32>], vector<16xf32>,
        tpu.vector_store_idx %arg9[%parallel_loop3A_864, %parallel_loop3A_901], %parallel_loop3A_902 : memref<8x2048xf32, #tpu.memory_space<vmem>>[vector<16xi32>, vector<16xi32>], vector<16xf32>,
        %parallel_loop3A_903 = arith.constant 8 : i32
        %parallel_loop3A_904 = vector.broadcast %parallel_loop3A_903 : i32 to vector<16xi32>
        %parallel_loop3A_905 = arith.addi %parallel_loop3A_870, %parallel_loop3A_904 : vector<16xi32>
        %parallel_loop3A_906 = tpu.vector_load_idx %arg7[%parallel_loop3A_857, %parallel_loop3A_864, %parallel_loop3A_905] : memref<2x8x2048xf32, #tpu.memory_space<vmem>>[vector<16xi32>, vector<16xi32>, vector<16xi32>], vector<16xf32>,
        tpu.vector_store_idx %arg9[%parallel_loop3A_864, %parallel_loop3A_905], %parallel_loop3A_906 : memref<8x2048xf32, #tpu.memory_space<vmem>>[vector<16xi32>, vector<16xi32>], vector<16xf32>,
        %parallel_loop3A_907 = arith.constant 9 : i32
        %parallel_loop3A_908 = vector.broadcast %parallel_loop3A_907 : i32 to vector<16xi32>
        %parallel_loop3A_909 = arith.addi %parallel_loop3A_870, %parallel_loop3A_908 : vector<16xi32>
        %parallel_loop3A_910 = tpu.vector_load_idx %arg7[%parallel_loop3A_857, %parallel_loop3A_864, %parallel_loop3A_909] : memref<2x8x2048xf32, #tpu.memory_space<vmem>>[vector<16xi32>, vector<16xi32>, vector<16xi32>], vector<16xf32>,
        tpu.vector_store_idx %arg9[%parallel_loop3A_864, %parallel_loop3A_909], %parallel_loop3A_910 : memref<8x2048xf32, #tpu.memory_space<vmem>>[vector<16xi32>, vector<16xi32>], vector<16xf32>,
        %parallel_loop3A_911 = arith.constant 10 : i32
        %parallel_loop3A_912 = vector.broadcast %parallel_loop3A_911 : i32 to vector<16xi32>
        %parallel_loop3A_913 = arith.addi %parallel_loop3A_870, %parallel_loop3A_912 : vector<16xi32>
        %parallel_loop3A_914 = tpu.vector_load_idx %arg7[%parallel_loop3A_857, %parallel_loop3A_864, %parallel_loop3A_913] : memref<2x8x2048xf32, #tpu.memory_space<vmem>>[vector<16xi32>, vector<16xi32>, vector<16xi32>], vector<16xf32>,
        tpu.vector_store_idx %arg9[%parallel_loop3A_864, %parallel_loop3A_913], %parallel_loop3A_914 : memref<8x2048xf32, #tpu.memory_space<vmem>>[vector<16xi32>, vector<16xi32>], vector<16xf32>,
        %parallel_loop3A_915 = arith.constant 11 : i32
        %parallel_loop3A_916 = vector.broadcast %parallel_loop3A_915 : i32 to vector<16xi32>
        %parallel_loop3A_917 = arith.addi %parallel_loop3A_870, %parallel_loop3A_916 : vector<16xi32>
        %parallel_loop3A_918 = tpu.vector_load_idx %arg7[%parallel_loop3A_857, %parallel_loop3A_864, %parallel_loop3A_917] : memref<2x8x2048xf32, #tpu.memory_space<vmem>>[vector<16xi32>, vector<16xi32>, vector<16xi32>], vector<16xf32>,
        tpu.vector_store_idx %arg9[%parallel_loop3A_864, %parallel_loop3A_917], %parallel_loop3A_918 : memref<8x2048xf32, #tpu.memory_space<vmem>>[vector<16xi32>, vector<16xi32>], vector<16xf32>,
        %parallel_loop3A_919 = arith.constant 12 : i32
        %parallel_loop3A_920 = vector.broadcast %parallel_loop3A_919 : i32 to vector<16xi32>
        %parallel_loop3A_921 = arith.addi %parallel_loop3A_870, %parallel_loop3A_920 : vector<16xi32>
        %parallel_loop3A_922 = tpu.vector_load_idx %arg7[%parallel_loop3A_857, %parallel_loop3A_864, %parallel_loop3A_921] : memref<2x8x2048xf32, #tpu.memory_space<vmem>>[vector<16xi32>, vector<16xi32>, vector<16xi32>], vector<16xf32>,
        tpu.vector_store_idx %arg9[%parallel_loop3A_864, %parallel_loop3A_921], %parallel_loop3A_922 : memref<8x2048xf32, #tpu.memory_space<vmem>>[vector<16xi32>, vector<16xi32>], vector<16xf32>,
        %parallel_loop3A_923 = arith.constant 13 : i32
        %parallel_loop3A_924 = vector.broadcast %parallel_loop3A_923 : i32 to vector<16xi32>
        %parallel_loop3A_925 = arith.addi %parallel_loop3A_870, %parallel_loop3A_924 : vector<16xi32>
        %parallel_loop3A_926 = tpu.vector_load_idx %arg7[%parallel_loop3A_857, %parallel_loop3A_864, %parallel_loop3A_925] : memref<2x8x2048xf32, #tpu.memory_space<vmem>>[vector<16xi32>, vector<16xi32>, vector<16xi32>], vector<16xf32>,
        tpu.vector_store_idx %arg9[%parallel_loop3A_864, %parallel_loop3A_925], %parallel_loop3A_926 : memref<8x2048xf32, #tpu.memory_space<vmem>>[vector<16xi32>, vector<16xi32>], vector<16xf32>,
        %parallel_loop3A_927 = arith.constant 14 : i32
        %parallel_loop3A_928 = vector.broadcast %parallel_loop3A_927 : i32 to vector<16xi32>
        %parallel_loop3A_929 = arith.addi %parallel_loop3A_870, %parallel_loop3A_928 : vector<16xi32>
        %parallel_loop3A_930 = tpu.vector_load_idx %arg7[%parallel_loop3A_857, %parallel_loop3A_864, %parallel_loop3A_929] : memref<2x8x2048xf32, #tpu.memory_space<vmem>>[vector<16xi32>, vector<16xi32>, vector<16xi32>], vector<16xf32>,
        tpu.vector_store_idx %arg9[%parallel_loop3A_864, %parallel_loop3A_929], %parallel_loop3A_930 : memref<8x2048xf32, #tpu.memory_space<vmem>>[vector<16xi32>, vector<16xi32>], vector<16xf32>,
        %parallel_loop3A_931 = arith.constant 15 : i32
        %parallel_loop3A_932 = vector.broadcast %parallel_loop3A_931 : i32 to vector<16xi32>
        %parallel_loop3A_933 = arith.addi %parallel_loop3A_870, %parallel_loop3A_932 : vector<16xi32>
        %parallel_loop3A_934 = tpu.vector_load_idx %arg7[%parallel_loop3A_857, %parallel_loop3A_864, %parallel_loop3A_933] : memref<2x8x2048xf32, #tpu.memory_space<vmem>>[vector<16xi32>, vector<16xi32>, vector<16xi32>], vector<16xf32>,
        tpu.vector_store_idx %arg9[%parallel_loop3A_864, %parallel_loop3A_933], %parallel_loop3A_934 : memref<8x2048xf32, #tpu.memory_space<vmem>>[vector<16xi32>, vector<16xi32>], vector<16xf32>,
      } {sc.loop_unroll_factor = 1 : i64, sc.parallel_access}
      %add3A_759 = arith.addi %mul3A_2, %add3A_634 : i32
      %jit3A_760 = arith.constant 2 : i32
      %div3A_761 = arith.divsi %add3A_759, %jit3A_760 : i32
      %sign3A_762 = arith.constant 0 : i32
      %sign3A_763 = arith.cmpi sgt, %add3A_759, %sign3A_762 : i32
      %sign3A_764 = arith.extui %sign3A_763 : i1 to i32
      %sign3A_765 = arith.constant 0 : i32
      %sign3A_766 = arith.cmpi slt, %add3A_759, %sign3A_765 : i32
      %sign3A_767 = arith.extui %sign3A_766 : i1 to i32
      %sign3A_768 = arith.subi %sign3A_764, %sign3A_767 : i32
      %sign3A_769 = arith.constant 0 : i32
      %sign3A_770 = arith.cmpi sgt, %jit3A_760, %sign3A_769 : i32
      %sign3A_771 = arith.extui %sign3A_770 : i1 to i32
      %sign3A_772 = arith.constant 0 : i32
      %sign3A_773 = arith.cmpi slt, %jit3A_760, %sign3A_772 : i32
      %sign3A_774 = arith.extui %sign3A_773 : i1 to i32
      %sign3A_775 = arith.subi %sign3A_771, %sign3A_774 : i32
      %ne3A_776 = arith.cmpi ne, %sign3A_768, %sign3A_775 : i32
      %rem3A_777 = arith.remsi %add3A_759, %jit3A_760 : i32
      %ne3A_778 = arith.constant 0 : i32
      %ne3A_779 = arith.cmpi ne, %rem3A_777, %ne3A_778 : i32
      %and3A_780 = arith.andi %ne3A_776, %ne3A_779 : i1
      %sub3A_781 = arith.constant 1 : i32
      %sub3A_782 = arith.subi %div3A_761, %sub3A_781 : i32
      %select_n3A_783 = arith.select %and3A_780, %sub3A_782, %div3A_761 : i32
      %mul3A_784 = arith.constant 8 : i32
      %mul3A_785 = arith.muli %select_n3A_783, %mul3A_784 : i32
      %jit3A_786 = arith.constant 4096 : i32
      %div3A_787 = arith.divsi %mul3A_785, %jit3A_786 : i32
      %sign3A_788 = arith.constant 0 : i32
      %sign3A_789 = arith.cmpi sgt, %mul3A_785, %sign3A_788 : i32
      %sign3A_790 = arith.extui %sign3A_789 : i1 to i32
      %sign3A_791 = arith.constant 0 : i32
      %sign3A_792 = arith.cmpi slt, %mul3A_785, %sign3A_791 : i32
      %sign3A_793 = arith.extui %sign3A_792 : i1 to i32
      %sign3A_794 = arith.subi %sign3A_790, %sign3A_793 : i32
      %sign3A_795 = arith.constant 0 : i32
      %sign3A_796 = arith.cmpi sgt, %jit3A_786, %sign3A_795 : i32
      %sign3A_797 = arith.extui %sign3A_796 : i1 to i32
      %sign3A_798 = arith.constant 0 : i32
      %sign3A_799 = arith.cmpi slt, %jit3A_786, %sign3A_798 : i32
      %sign3A_800 = arith.extui %sign3A_799 : i1 to i32
      %sign3A_801 = arith.subi %sign3A_797, %sign3A_800 : i32
      %ne3A_802 = arith.cmpi ne, %sign3A_794, %sign3A_801 : i32
      %rem3A_803 = arith.remsi %mul3A_785, %jit3A_786 : i32
      %ne3A_804 = arith.constant 0 : i32
      %ne3A_805 = arith.cmpi ne, %rem3A_803, %ne3A_804 : i32
      %and3A_806 = arith.andi %ne3A_802, %ne3A_805 : i1
      %sub3A_807 = arith.constant 1 : i32
      %sub3A_808 = arith.subi %div3A_787, %sub3A_807 : i32
      %select_n3A_809 = arith.select %and3A_806, %sub3A_808, %div3A_787 : i32
      %jit3A_810 = arith.constant 4096 : i32
      %eq3A_811 = arith.constant 0 : i32
      %eq3A_812 = arith.cmpi eq, %jit3A_810, %eq3A_811 : i32
      %jit3A_813 = arith.constant 1 : i32
      %select_n3A_814 = arith.select %eq3A_812, %jit3A_813, %jit3A_810 : i32
      %rem3A_815 = arith.remsi %mul3A_785, %select_n3A_814 : i32
      %ne3A_816 = arith.constant 0 : i32
      %ne3A_817 = arith.cmpi ne, %rem3A_815, %ne3A_816 : i32
      %lt3A_818 = arith.constant 0 : i32
      %lt3A_819 = arith.cmpi slt, %rem3A_815, %lt3A_818 : i32
      %lt3A_820 = arith.constant 0 : i32
      %lt3A_821 = arith.cmpi slt, %select_n3A_814, %lt3A_820 : i32
      %ne3A_822 = arith.xori %lt3A_819, %lt3A_821 : i1
      %and3A_823 = arith.andi %ne3A_822, %ne3A_817 : i1
      %add3A_824 = arith.addi %rem3A_815, %select_n3A_814 : i32
      %select_n3A_825 = arith.select %and3A_823, %add3A_824, %rem3A_815 : i32
      %jit3A_826 = arith.constant 2 : i32
      %eq3A_827 = arith.constant 0 : i32
      %eq3A_828 = arith.cmpi eq, %jit3A_826, %eq3A_827 : i32
      %jit3A_829 = arith.constant 1 : i32
      %select_n3A_830 = arith.select %eq3A_828, %jit3A_829, %jit3A_826 : i32
      %rem3A_831 = arith.remsi %add3A_759, %select_n3A_830 : i32
      %ne3A_832 = arith.constant 0 : i32
      %ne3A_833 = arith.cmpi ne, %rem3A_831, %ne3A_832 : i32
      %lt3A_834 = arith.constant 0 : i32
      %lt3A_835 = arith.cmpi slt, %rem3A_831, %lt3A_834 : i32
      %lt3A_836 = arith.constant 0 : i32
      %lt3A_837 = arith.cmpi slt, %select_n3A_830, %lt3A_836 : i32
      %ne3A_838 = arith.xori %lt3A_835, %lt3A_837 : i1
      %and3A_839 = arith.andi %ne3A_838, %ne3A_833 : i1
      %add3A_840 = arith.addi %rem3A_831, %select_n3A_830 : i32
      %select_n3A_841 = arith.select %and3A_839, %add3A_840, %rem3A_831 : i32
      %mul3A_842 = arith.constant 2048 : i32
      %mul3A_843 = arith.muli %select_n3A_841, %mul3A_842 : i32
      %dma_start3A_844 = tpu.memref_slice %arg5[%select_n3A_809, %select_n3A_825, %mul3A_843] : memref<3x4096x4096xf32, #tpu.memory_space<hbm>> -> memref<1x8x2048xf32, #tpu.memory_space<hbm>>
      %dma_start3A_845 = tpu.memref_squeeze %dma_start3A_844 : memref<1x8x2048xf32, #tpu.memory_space<hbm>> -> memref<8x2048xf32, #tpu.memory_space<hbm>>
      %dma_start3A_846 = tpu.memref_slice %arg5[%select_n3A_809, %select_n3A_825, %mul3A_843] : memref<3x4096x4096xf32, #tpu.memory_space<hbm>> -> memref<1x8x2048xf32, #tpu.memory_space<hbm>>
      %dma_start3A_847 = tpu.memref_squeeze %dma_start3A_846 : memref<1x8x2048xf32, #tpu.memory_space<hbm>> -> memref<8x2048xf32, #tpu.memory_space<hbm>>
      tpu.enqueue_dma source(%arg9 : memref<8x2048xf32, #tpu.memory_space<vmem>>) target(%dma_start3A_847 : memref<8x2048xf32, #tpu.memory_space<hbm>>) target_semaphore(%arg15 : memref<!tpu.dma_semaphore, #tpu.memory_space<semaphore_mem>>)
      %lt3A_848 = arith.constant 47 : i32
      %lt3A_849 = arith.cmpi slt, %scan3A_412, %lt3A_848 : i32
      %convert_element_type3A_850 = arith.extui %lt3A_849 : i1 to i32
      %cond3A_851 = arith.constant 0 : i32
      %cond3A_852 = arith.cmpi ne, %convert_element_type3A_850, %cond3A_851 : i32
      scf.if %cond3A_852 {
        %add3A_853 = arith.constant 2 : i32
        %add3A_854 = arith.addi %add3A_634, %add3A_853 : i32
        %add3A_855 = arith.addi %mul3A_2, %add3A_854 : i32
        %jit3A_856 = arith.constant 2 : i32
        %div3A_857 = arith.divsi %add3A_855, %jit3A_856 : i32
        %sign3A_858 = arith.constant 0 : i32
        %sign3A_859 = arith.cmpi sgt, %add3A_855, %sign3A_858 : i32
        %sign3A_860 = arith.extui %sign3A_859 : i1 to i32
        %sign3A_861 = arith.constant 0 : i32
        %sign3A_862 = arith.cmpi slt, %add3A_855, %sign3A_861 : i32
        %sign3A_863 = arith.extui %sign3A_862 : i1 to i32
        %sign3A_864 = arith.subi %sign3A_860, %sign3A_863 : i32
        %sign3A_865 = arith.constant 0 : i32
        %sign3A_866 = arith.cmpi sgt, %jit3A_856, %sign3A_865 : i32
        %sign3A_867 = arith.extui %sign3A_866 : i1 to i32
        %sign3A_868 = arith.constant 0 : i32
        %sign3A_869 = arith.cmpi slt, %jit3A_856, %sign3A_868 : i32
        %sign3A_870 = arith.extui %sign3A_869 : i1 to i32
        %sign3A_871 = arith.subi %sign3A_867, %sign3A_870 : i32
        %ne3A_872 = arith.cmpi ne, %sign3A_864, %sign3A_871 : i32
        %rem3A_873 = arith.remsi %add3A_855, %jit3A_856 : i32
        %ne3A_874 = arith.constant 0 : i32
        %ne3A_875 = arith.cmpi ne, %rem3A_873, %ne3A_874 : i32
        %and3A_876 = arith.andi %ne3A_872, %ne3A_875 : i1
        %sub3A_877 = arith.constant 1 : i32
        %sub3A_878 = arith.subi %div3A_857, %sub3A_877 : i32
        %select_n3A_879 = arith.select %and3A_876, %sub3A_878, %div3A_857 : i32
        %mul3A_880 = arith.constant 8 : i32
        %mul3A_881 = arith.muli %select_n3A_879, %mul3A_880 : i32
        %jit3A_882 = arith.constant 4096 : i32
        %div3A_883 = arith.divsi %mul3A_881, %jit3A_882 : i32
        %sign3A_884 = arith.constant 0 : i32
        %sign3A_885 = arith.cmpi sgt, %mul3A_881, %sign3A_884 : i32
        %sign3A_886 = arith.extui %sign3A_885 : i1 to i32
        %sign3A_887 = arith.constant 0 : i32
        %sign3A_888 = arith.cmpi slt, %mul3A_881, %sign3A_887 : i32
        %sign3A_889 = arith.extui %sign3A_888 : i1 to i32
        %sign3A_890 = arith.subi %sign3A_886, %sign3A_889 : i32
        %sign3A_891 = arith.constant 0 : i32
        %sign3A_892 = arith.cmpi sgt, %jit3A_882, %sign3A_891 : i32
        %sign3A_893 = arith.extui %sign3A_892 : i1 to i32
        %sign3A_894 = arith.constant 0 : i32
        %sign3A_895 = arith.cmpi slt, %jit3A_882, %sign3A_894 : i32
        %sign3A_896 = arith.extui %sign3A_895 : i1 to i32
        %sign3A_897 = arith.subi %sign3A_893, %sign3A_896 : i32
        %ne3A_898 = arith.cmpi ne, %sign3A_890, %sign3A_897 : i32
        %rem3A_899 = arith.remsi %mul3A_881, %jit3A_882 : i32
        %ne3A_900 = arith.constant 0 : i32
        %ne3A_901 = arith.cmpi ne, %rem3A_899, %ne3A_900 : i32
        %and3A_902 = arith.andi %ne3A_898, %ne3A_901 : i1
        %sub3A_903 = arith.constant 1 : i32
        %sub3A_904 = arith.subi %div3A_883, %sub3A_903 : i32
        %select_n3A_905 = arith.select %and3A_902, %sub3A_904, %div3A_883 : i32
        %jit3A_906 = arith.constant 4096 : i32
        %eq3A_907 = arith.constant 0 : i32
        %eq3A_908 = arith.cmpi eq, %jit3A_906, %eq3A_907 : i32
        %jit3A_909 = arith.constant 1 : i32
        %select_n3A_910 = arith.select %eq3A_908, %jit3A_909, %jit3A_906 : i32
        %rem3A_911 = arith.remsi %mul3A_881, %select_n3A_910 : i32
        %ne3A_912 = arith.constant 0 : i32
        %ne3A_913 = arith.cmpi ne, %rem3A_911, %ne3A_912 : i32
        %lt3A_914 = arith.constant 0 : i32
        %lt3A_915 = arith.cmpi slt, %rem3A_911, %lt3A_914 : i32
        %lt3A_916 = arith.constant 0 : i32
        %lt3A_917 = arith.cmpi slt, %select_n3A_910, %lt3A_916 : i32
        %ne3A_918 = arith.xori %lt3A_915, %lt3A_917 : i1
        %and3A_919 = arith.andi %ne3A_918, %ne3A_913 : i1
        %add3A_920 = arith.addi %rem3A_911, %select_n3A_910 : i32
        %select_n3A_921 = arith.select %and3A_919, %add3A_920, %rem3A_911 : i32
        %jit3A_922 = arith.constant 2 : i32
        %eq3A_923 = arith.constant 0 : i32
        %eq3A_924 = arith.cmpi eq, %jit3A_922, %eq3A_923 : i32
        %jit3A_925 = arith.constant 1 : i32
        %select_n3A_926 = arith.select %eq3A_924, %jit3A_925, %jit3A_922 : i32
        %rem3A_927 = arith.remsi %add3A_855, %select_n3A_926 : i32
        %ne3A_928 = arith.constant 0 : i32
        %ne3A_929 = arith.cmpi ne, %rem3A_927, %ne3A_928 : i32
        %lt3A_930 = arith.constant 0 : i32
        %lt3A_931 = arith.cmpi slt, %rem3A_927, %lt3A_930 : i32
        %lt3A_932 = arith.constant 0 : i32
        %lt3A_933 = arith.cmpi slt, %select_n3A_926, %lt3A_932 : i32
        %ne3A_934 = arith.xori %lt3A_931, %lt3A_933 : i1
        %and3A_935 = arith.andi %ne3A_934, %ne3A_929 : i1
        %add3A_936 = arith.addi %rem3A_927, %select_n3A_926 : i32
        %select_n3A_937 = arith.select %and3A_935, %add3A_936, %rem3A_927 : i32
        %mul3A_938 = arith.constant 2048 : i32
        %mul3A_939 = arith.muli %select_n3A_937, %mul3A_938 : i32
        %add3A_940 = arith.addi %mul3A_2, %add3A_854 : i32
        %mul3A_941 = arith.constant 1024 : i32
        %mul3A_942 = arith.muli %add3A_940, %mul3A_941 : i32
        %dma_start3A_943 = arith.constant 0 : i32
        %dma_start3A_944 = arith.constant 0 : i32
        %dma_start3A_945 = arith.constant 0 : i32
        %dma_start3A_946 = tpu.memref_slice %arg7[%dma_start3A_943, %dma_start3A_944, %dma_start3A_945] : memref<2x8x2048xf32, #tpu.memory_space<vmem>> -> memref<1x8x2048xf32, #tpu.memory_space<vmem>>
        %dma_start3A_947 = tpu.memref_squeeze %dma_start3A_946 : memref<1x8x2048xf32, #tpu.memory_space<vmem>> -> memref<8x2048xf32, #tpu.memory_space<vmem>>
        %dma_start3A_948 = tpu.memref_slice %arg2[%select_n3A_905, %select_n3A_921, %mul3A_939] : memref<3x4096x4096xf32, #tpu.memory_space<hbm>> -> memref<1x8x2048xf32, #tpu.memory_space<hbm>>
        %dma_start3A_949 = tpu.memref_squeeze %dma_start3A_948 : memref<1x8x2048xf32, #tpu.memory_space<hbm>> -> memref<8x2048xf32, #tpu.memory_space<hbm>>
        %dma_start3A_950 = arith.constant 0 : i32
        %dma_start3A_951 = arith.constant 0 : i32
        %dma_start3A_952 = tpu.memref_slice %arg7[%dma_start3A_943, %dma_start3A_950, %dma_start3A_951] : memref<2x8x2048xf32, #tpu.memory_space<vmem>> -> memref<1x8x2048xf32, #tpu.memory_space<vmem>>
        %dma_start3A_953 = tpu.memref_squeeze %dma_start3A_952 : memref<1x8x2048xf32, #tpu.memory_space<vmem>> -> memref<8x2048xf32, #tpu.memory_space<vmem>>
        %dma_start3A_954 = tpu.memref_slice %arg2[%select_n3A_905, %select_n3A_921, %mul3A_939] : memref<3x4096x4096xf32, #tpu.memory_space<hbm>> -> memref<1x8x2048xf32, #tpu.memory_space<hbm>>
        %dma_start3A_955 = tpu.memref_squeeze %dma_start3A_954 : memref<1x8x2048xf32, #tpu.memory_space<hbm>> -> memref<8x2048xf32, #tpu.memory_space<hbm>>
        tpu.enqueue_dma source(%dma_start3A_955 : memref<8x2048xf32, #tpu.memory_space<hbm>>) target(%dma_start3A_953 : memref<8x2048xf32, #tpu.memory_space<vmem>>) target_semaphore(%arg13 : memref<!tpu.dma_semaphore, #tpu.memory_space<semaphore_mem>>)
        %dma_start3A_956 = arith.constant 1 : i32
        %dma_start3A_957 = arith.constant 0 : i32
        %dma_start3A_958 = arith.constant 0 : i32
        %dma_start3A_959 = tpu.memref_slice %arg7[%dma_start3A_956, %dma_start3A_957, %dma_start3A_958] : memref<2x8x2048xf32, #tpu.memory_space<vmem>> -> memref<1x8x2048xf32, #tpu.memory_space<vmem>>
        %dma_start3A_960 = tpu.memref_squeeze %dma_start3A_959 : memref<1x8x2048xf32, #tpu.memory_space<vmem>> -> memref<8x2048xf32, #tpu.memory_space<vmem>>
        %dma_start3A_961 = tpu.memref_slice %arg3[%select_n3A_905, %select_n3A_921, %mul3A_939] : memref<3x4096x4096xf32, #tpu.memory_space<hbm>> -> memref<1x8x2048xf32, #tpu.memory_space<hbm>>
        %dma_start3A_962 = tpu.memref_squeeze %dma_start3A_961 : memref<1x8x2048xf32, #tpu.memory_space<hbm>> -> memref<8x2048xf32, #tpu.memory_space<hbm>>
        %dma_start3A_963 = arith.constant 0 : i32
        %dma_start3A_964 = arith.constant 0 : i32
        %dma_start3A_965 = tpu.memref_slice %arg7[%dma_start3A_956, %dma_start3A_963, %dma_start3A_964] : memref<2x8x2048xf32, #tpu.memory_space<vmem>> -> memref<1x8x2048xf32, #tpu.memory_space<vmem>>
        %dma_start3A_966 = tpu.memref_squeeze %dma_start3A_965 : memref<1x8x2048xf32, #tpu.memory_space<vmem>> -> memref<8x2048xf32, #tpu.memory_space<vmem>>
        %dma_start3A_967 = tpu.memref_slice %arg3[%select_n3A_905, %select_n3A_921, %mul3A_939] : memref<3x4096x4096xf32, #tpu.memory_space<hbm>> -> memref<1x8x2048xf32, #tpu.memory_space<hbm>>
        %dma_start3A_968 = tpu.memref_squeeze %dma_start3A_967 : memref<1x8x2048xf32, #tpu.memory_space<hbm>> -> memref<8x2048xf32, #tpu.memory_space<hbm>>
        tpu.enqueue_dma source(%dma_start3A_968 : memref<8x2048xf32, #tpu.memory_space<hbm>>) target(%dma_start3A_966 : memref<8x2048xf32, #tpu.memory_space<vmem>>) target_semaphore(%arg13 : memref<!tpu.dma_semaphore, #tpu.memory_space<semaphore_mem>>)
        %dma_start3A_969 = tpu.memref_slice %arg4[%mul3A_942] : memref<3145728xi32, #tpu.memory_space<hbm>> -> memref<1024xi32, #tpu.memory_space<hbm>>
        %dma_start3A_970 = tpu.memref_slice %arg4[%mul3A_942] : memref<3145728xi32, #tpu.memory_space<hbm>> -> memref<1024xi32, #tpu.memory_space<hbm>>
        tpu.enqueue_dma source(%dma_start3A_970 : memref<1024xi32, #tpu.memory_space<hbm>>) target(%arg11 : memref<1024xi32, #tpu.memory_space<vmem>>) target_semaphore(%arg13 : memref<!tpu.dma_semaphore, #tpu.memory_space<semaphore_mem>>)
      } else {
      }
    }
    %scan3A_232 = arith.constant 48 : i32
    %add3A_233 = arith.constant 94 : i32
    %add3A_234 = arith.addi %mul3A_2, %add3A_233 : i32
    %jit3A_235 = arith.constant 2 : i32
    %div3A_236 = arith.divsi %add3A_234, %jit3A_235 : i32
    %sign3A_237 = arith.constant 0 : i32
    %sign3A_238 = arith.cmpi sgt, %add3A_234, %sign3A_237 : i32
    %sign3A_239 = arith.extui %sign3A_238 : i1 to i32
    %sign3A_240 = arith.constant 0 : i32
    %sign3A_241 = arith.cmpi slt, %add3A_234, %sign3A_240 : i32
    %sign3A_242 = arith.extui %sign3A_241 : i1 to i32
    %sign3A_243 = arith.subi %sign3A_239, %sign3A_242 : i32
    %sign3A_244 = arith.constant 0 : i32
    %sign3A_245 = arith.cmpi sgt, %jit3A_235, %sign3A_244 : i32
    %sign3A_246 = arith.extui %sign3A_245 : i1 to i32
    %sign3A_247 = arith.constant 0 : i32
    %sign3A_248 = arith.cmpi slt, %jit3A_235, %sign3A_247 : i32
    %sign3A_249 = arith.extui %sign3A_248 : i1 to i32
    %sign3A_250 = arith.subi %sign3A_246, %sign3A_249 : i32
    %ne3A_251 = arith.cmpi ne, %sign3A_243, %sign3A_250 : i32
    %rem3A_252 = arith.remsi %add3A_234, %jit3A_235 : i32
    %ne3A_253 = arith.constant 0 : i32
    %ne3A_254 = arith.cmpi ne, %rem3A_252, %ne3A_253 : i32
    %and3A_255 = arith.andi %ne3A_251, %ne3A_254 : i1
    %sub3A_256 = arith.constant 1 : i32
    %sub3A_257 = arith.subi %div3A_236, %sub3A_256 : i32
    %select_n3A_258 = arith.select %and3A_255, %sub3A_257, %div3A_236 : i32
    %mul3A_259 = arith.constant 8 : i32
    %mul3A_260 = arith.muli %select_n3A_258, %mul3A_259 : i32
    %jit3A_261 = arith.constant 4096 : i32
    %div3A_262 = arith.divsi %mul3A_260, %jit3A_261 : i32
    %sign3A_263 = arith.constant 0 : i32
    %sign3A_264 = arith.cmpi sgt, %mul3A_260, %sign3A_263 : i32
    %sign3A_265 = arith.extui %sign3A_264 : i1 to i32
    %sign3A_266 = arith.constant 0 : i32
    %sign3A_267 = arith.cmpi slt, %mul3A_260, %sign3A_266 : i32
    %sign3A_268 = arith.extui %sign3A_267 : i1 to i32
    %sign3A_269 = arith.subi %sign3A_265, %sign3A_268 : i32
    %sign3A_270 = arith.constant 0 : i32
    %sign3A_271 = arith.cmpi sgt, %jit3A_261, %sign3A_270 : i32
    %sign3A_272 = arith.extui %sign3A_271 : i1 to i32
    %sign3A_273 = arith.constant 0 : i32
    %sign3A_274 = arith.cmpi slt, %jit3A_261, %sign3A_273 : i32
    %sign3A_275 = arith.extui %sign3A_274 : i1 to i32
    %sign3A_276 = arith.subi %sign3A_272, %sign3A_275 : i32
    %ne3A_277 = arith.cmpi ne, %sign3A_269, %sign3A_276 : i32
    %rem3A_278 = arith.remsi %mul3A_260, %jit3A_261 : i32
    %ne3A_279 = arith.constant 0 : i32
    %ne3A_280 = arith.cmpi ne, %rem3A_278, %ne3A_279 : i32
    %and3A_281 = arith.andi %ne3A_277, %ne3A_280 : i1
    %sub3A_282 = arith.constant 1 : i32
    %sub3A_283 = arith.subi %div3A_262, %sub3A_282 : i32
    %select_n3A_284 = arith.select %and3A_281, %sub3A_283, %div3A_262 : i32
    %jit3A_285 = arith.constant 4096 : i32
    %eq3A_286 = arith.constant 0 : i32
    %eq3A_287 = arith.cmpi eq, %jit3A_285, %eq3A_286 : i32
    %jit3A_288 = arith.constant 1 : i32
    %select_n3A_289 = arith.select %eq3A_287, %jit3A_288, %jit3A_285 : i32
    %rem3A_290 = arith.remsi %mul3A_260, %select_n3A_289 : i32
    %ne3A_291 = arith.constant 0 : i32
    %ne3A_292 = arith.cmpi ne, %rem3A_290, %ne3A_291 : i32
    %lt3A_293 = arith.constant 0 : i32
    %lt3A_294 = arith.cmpi slt, %rem3A_290, %lt3A_293 : i32
    %lt3A_295 = arith.constant 0 : i32
    %lt3A_296 = arith.cmpi slt, %select_n3A_289, %lt3A_295 : i32
    %ne3A_297 = arith.xori %lt3A_294, %lt3A_296 : i1
    %and3A_298 = arith.andi %ne3A_297, %ne3A_292 : i1
    %add3A_299 = arith.addi %rem3A_290, %select_n3A_289 : i32
    %select_n3A_300 = arith.select %and3A_298, %add3A_299, %rem3A_290 : i32
    %jit3A_301 = arith.constant 2 : i32
    %eq3A_302 = arith.constant 0 : i32
    %eq3A_303 = arith.cmpi eq, %jit3A_301, %eq3A_302 : i32
    %jit3A_304 = arith.constant 1 : i32
    %select_n3A_305 = arith.select %eq3A_303, %jit3A_304, %jit3A_301 : i32
    %rem3A_306 = arith.remsi %add3A_234, %select_n3A_305 : i32
    %ne3A_307 = arith.constant 0 : i32
    %ne3A_308 = arith.cmpi ne, %rem3A_306, %ne3A_307 : i32
    %lt3A_309 = arith.constant 0 : i32
    %lt3A_310 = arith.cmpi slt, %rem3A_306, %lt3A_309 : i32
    %lt3A_311 = arith.constant 0 : i32
    %lt3A_312 = arith.cmpi slt, %select_n3A_305, %lt3A_311 : i32
    %ne3A_313 = arith.xori %lt3A_310, %lt3A_312 : i1
    %and3A_314 = arith.andi %ne3A_313, %ne3A_308 : i1
    %add3A_315 = arith.addi %rem3A_306, %select_n3A_305 : i32
    %select_n3A_316 = arith.select %and3A_314, %add3A_315, %rem3A_306 : i32
    %mul3A_317 = arith.constant 2048 : i32
    %mul3A_318 = arith.muli %select_n3A_316, %mul3A_317 : i32
    %dma_wait3A = tpu.memref_slice %arg5[%select_n3A_284, %select_n3A_300, %mul3A_318] : memref<3x4096x4096xf32, #tpu.memory_space<hbm>> -> memref<1x8x2048xf32, #tpu.memory_space<hbm>>
    %dma_wait3A_319 = tpu.memref_squeeze %dma_wait3A : memref<1x8x2048xf32, #tpu.memory_space<hbm>> -> memref<8x2048xf32, #tpu.memory_space<hbm>>
    %dma_wait3A_320 = tpu.memref_slice %arg5[%select_n3A_284, %select_n3A_300, %mul3A_318] : memref<3x4096x4096xf32, #tpu.memory_space<hbm>> -> memref<1x8x2048xf32, #tpu.memory_space<hbm>>
    %dma_wait3A_321 = tpu.memref_squeeze %dma_wait3A_320 : memref<1x8x2048xf32, #tpu.memory_space<hbm>> -> memref<8x2048xf32, #tpu.memory_space<hbm>>
    tpu.wait_dma2 semaphore(%arg14 : memref<!tpu.dma_semaphore, #tpu.memory_space<semaphore_mem>>) src(%arg8 : memref<8x2048xf32, #tpu.memory_space<vmem>>) dst(%dma_wait3A_321 : memref<8x2048xf32, #tpu.memory_space<hbm>>)
    %add3A_322 = arith.constant 95 : i32
    %add3A_323 = arith.addi %mul3A_2, %add3A_322 : i32
    %jit3A_324 = arith.constant 2 : i32
    %div3A_325 = arith.divsi %add3A_323, %jit3A_324 : i32
    %sign3A_326 = arith.constant 0 : i32
    %sign3A_327 = arith.cmpi sgt, %add3A_323, %sign3A_326 : i32
    %sign3A_328 = arith.extui %sign3A_327 : i1 to i32
    %sign3A_329 = arith.constant 0 : i32
    %sign3A_330 = arith.cmpi slt, %add3A_323, %sign3A_329 : i32
    %sign3A_331 = arith.extui %sign3A_330 : i1 to i32
    %sign3A_332 = arith.subi %sign3A_328, %sign3A_331 : i32
    %sign3A_333 = arith.constant 0 : i32
    %sign3A_334 = arith.cmpi sgt, %jit3A_324, %sign3A_333 : i32
    %sign3A_335 = arith.extui %sign3A_334 : i1 to i32
    %sign3A_336 = arith.constant 0 : i32
    %sign3A_337 = arith.cmpi slt, %jit3A_324, %sign3A_336 : i32
    %sign3A_338 = arith.extui %sign3A_337 : i1 to i32
    %sign3A_339 = arith.subi %sign3A_335, %sign3A_338 : i32
    %ne3A_340 = arith.cmpi ne, %sign3A_332, %sign3A_339 : i32
    %rem3A_341 = arith.remsi %add3A_323, %jit3A_324 : i32
    %ne3A_342 = arith.constant 0 : i32
    %ne3A_343 = arith.cmpi ne, %rem3A_341, %ne3A_342 : i32
    %and3A_344 = arith.andi %ne3A_340, %ne3A_343 : i1
    %sub3A_345 = arith.constant 1 : i32
    %sub3A_346 = arith.subi %div3A_325, %sub3A_345 : i32
    %select_n3A_347 = arith.select %and3A_344, %sub3A_346, %div3A_325 : i32
    %mul3A_348 = arith.constant 8 : i32
    %mul3A_349 = arith.muli %select_n3A_347, %mul3A_348 : i32
    %jit3A_350 = arith.constant 4096 : i32
    %div3A_351 = arith.divsi %mul3A_349, %jit3A_350 : i32
    %sign3A_352 = arith.constant 0 : i32
    %sign3A_353 = arith.cmpi sgt, %mul3A_349, %sign3A_352 : i32
    %sign3A_354 = arith.extui %sign3A_353 : i1 to i32
    %sign3A_355 = arith.constant 0 : i32
    %sign3A_356 = arith.cmpi slt, %mul3A_349, %sign3A_355 : i32
    %sign3A_357 = arith.extui %sign3A_356 : i1 to i32
    %sign3A_358 = arith.subi %sign3A_354, %sign3A_357 : i32
    %sign3A_359 = arith.constant 0 : i32
    %sign3A_360 = arith.cmpi sgt, %jit3A_350, %sign3A_359 : i32
    %sign3A_361 = arith.extui %sign3A_360 : i1 to i32
    %sign3A_362 = arith.constant 0 : i32
    %sign3A_363 = arith.cmpi slt, %jit3A_350, %sign3A_362 : i32
    %sign3A_364 = arith.extui %sign3A_363 : i1 to i32
    %sign3A_365 = arith.subi %sign3A_361, %sign3A_364 : i32
    %ne3A_366 = arith.cmpi ne, %sign3A_358, %sign3A_365 : i32
    %rem3A_367 = arith.remsi %mul3A_349, %jit3A_350 : i32
    %ne3A_368 = arith.constant 0 : i32
    %ne3A_369 = arith.cmpi ne, %rem3A_367, %ne3A_368 : i32
    %and3A_370 = arith.andi %ne3A_366, %ne3A_369 : i1
    %sub3A_371 = arith.constant 1 : i32
    %sub3A_372 = arith.subi %div3A_351, %sub3A_371 : i32
    %select_n3A_373 = arith.select %and3A_370, %sub3A_372, %div3A_351 : i32
    %jit3A_374 = arith.constant 4096 : i32
    %eq3A_375 = arith.constant 0 : i32
    %eq3A_376 = arith.cmpi eq, %jit3A_374, %eq3A_375 : i32
    %jit3A_377 = arith.constant 1 : i32
    %select_n3A_378 = arith.select %eq3A_376, %jit3A_377, %jit3A_374 : i32
    %rem3A_379 = arith.remsi %mul3A_349, %select_n3A_378 : i32
    %ne3A_380 = arith.constant 0 : i32
    %ne3A_381 = arith.cmpi ne, %rem3A_379, %ne3A_380 : i32
    %lt3A_382 = arith.constant 0 : i32
    %lt3A_383 = arith.cmpi slt, %rem3A_379, %lt3A_382 : i32
    %lt3A_384 = arith.constant 0 : i32
    %lt3A_385 = arith.cmpi slt, %select_n3A_378, %lt3A_384 : i32
    %ne3A_386 = arith.xori %lt3A_383, %lt3A_385 : i1
    %and3A_387 = arith.andi %ne3A_386, %ne3A_381 : i1
    %add3A_388 = arith.addi %rem3A_379, %select_n3A_378 : i32
    %select_n3A_389 = arith.select %and3A_387, %add3A_388, %rem3A_379 : i32
    %jit3A_390 = arith.constant 2 : i32
    %eq3A_391 = arith.constant 0 : i32
    %eq3A_392 = arith.cmpi eq, %jit3A_390, %eq3A_391 : i32
    %jit3A_393 = arith.constant 1 : i32
    %select_n3A_394 = arith.select %eq3A_392, %jit3A_393, %jit3A_390 : i32
    %rem3A_395 = arith.remsi %add3A_323, %select_n3A_394 : i32
    %ne3A_396 = arith.constant 0 : i32
    %ne3A_397 = arith.cmpi ne, %rem3A_395, %ne3A_396 : i32
    %lt3A_398 = arith.constant 0 : i32
    %lt3A_399 = arith.cmpi slt, %rem3A_395, %lt3A_398 : i32
    %lt3A_400 = arith.constant 0 : i32
    %lt3A_401 = arith.cmpi slt, %select_n3A_394, %lt3A_400 : i32
    %ne3A_402 = arith.xori %lt3A_399, %lt3A_401 : i1
    %and3A_403 = arith.andi %ne3A_402, %ne3A_397 : i1
    %add3A_404 = arith.addi %rem3A_395, %select_n3A_394 : i32
    %select_n3A_405 = arith.select %and3A_403, %add3A_404, %rem3A_395 : i32
    %mul3A_406 = arith.constant 2048 : i32
    %mul3A_407 = arith.muli %select_n3A_405, %mul3A_406 : i32
    %dma_wait3A_408 = tpu.memref_slice %arg5[%select_n3A_373, %select_n3A_389, %mul3A_407] : memref<3x4096x4096xf32, #tpu.memory_space<hbm>> -> memref<1x8x2048xf32, #tpu.memory_space<hbm>>
    %dma_wait3A_409 = tpu.memref_squeeze %dma_wait3A_408 : memref<1x8x2048xf32, #tpu.memory_space<hbm>> -> memref<8x2048xf32, #tpu.memory_space<hbm>>
    %dma_wait3A_410 = tpu.memref_slice %arg5[%select_n3A_373, %select_n3A_389, %mul3A_407] : memref<3x4096x4096xf32, #tpu.memory_space<hbm>> -> memref<1x8x2048xf32, #tpu.memory_space<hbm>>
    %dma_wait3A_411 = tpu.memref_squeeze %dma_wait3A_410 : memref<1x8x2048xf32, #tpu.memory_space<hbm>> -> memref<8x2048xf32, #tpu.memory_space<hbm>>
    tpu.wait_dma2 semaphore(%arg15 : memref<!tpu.dma_semaphore, #tpu.memory_space<semaphore_mem>>) src(%arg9 : memref<8x2048xf32, #tpu.memory_space<vmem>>) dst(%dma_wait3A_411 : memref<8x2048xf32, #tpu.memory_space<hbm>>)
    return
  }
}

</mosaic_0001>

<sc_bundles>
// kernel: _run.3.cloned.1.call-start
scs
__scs_entry_jumppad:
0x0: {  	(pc) =	sbr.rel $0x88, $3  }
0x1: {  	(tag) =	ssettag $0x0;
	lr =	simm.s32 $0x1  }
0x2: {  	[smem:$0x3FA0] =	sst lr;
	_ =	strace $0xD0000000  }
0x3: {  	_ = 	snop  }
0x4: {  	_ = 	snop  }
0x5: {  	_ = 	snop  }
0x6: {  	_ = 	snop  }
0x7: {  	_ = 	snop  }
__scs_overlays_trampoline_lowered:
0x8: {  	[smem:$0x3FAF] =	sst s0  }
0x9: {  	[smem:$0x3FB0] =	sst s1  }
0xa: {  	[smem:$0x3FB1] =	sst s2  }
0xb: {  	[smem:$0x3FB2] =	sst s3  }
0xc: {  	[smem:$0x3FB3] =	sst s4  }
0xd: {  	[smem:$0x3FB4] =	sst s5  }
0xe: {  	[smem:$0x3FB5] =	sst s6  }
0xf: {  	[smem:$0x3FB6] =	sst s7  }
0x10: {  	[smem:$0x3FB7] =	sst s8  }
0x11: {  	[smem:$0x3FB8] =	sst s9;
	s0 =	simm.s32 @!p0 $0x0  }
0x12: {  	s1 =	sld [smem:$0x3F9E];
	s0 =	simm.s32 @p0 $0x1  }
0x13: {  	[smem:$0x3FB9] =	sst s0;
	s0 =	simm.s32 @!p1 $0x0  }
0x14: {  	s2 =	sld [smem:$0x3F9D];
	s0 =	simm.s32 @p1 $0x1  }
0x15: {  	[smem:$0x3FBA] =	sst s0;
	s0 =	simm.s32 @!p2 $0x0  }
0x16: {  	s3 =	sld [smem:$0x3FDB];
	s0 =	simm.s32 @p2 $0x1  }
0x17: {  	s4 =	simm.s32 $0x1BF5;
	[smem:$0x3FBC] =	sst s0  }
0x18: {  	s0 =	sld [smem:$0x3F9F];
	_ =	swait.ge [sflag:s4], $0x0  }
0x19: {  	s7 =	sld [smem:$0x3FA0]  }
0x1a: {  	s8 =	sadd.s32 $0xFFFFE003, lr  }
0x1b: {  	s9 =	sadd.s32 $0xFFFFFEF7, lr;
	s5 =	simm.s32 $0xFFFFFFFF;
	p2 =	slt.u32 s8, $0xFFFFF086  }
0x1c: {  	p1 =	slt.u32 s9, $0xF7A;
	s5 =	simm.s32 @!p2 $0x0  }
0x1d: {  	s5 =	simm.s32 @p1 $0x1;
	p0 =	seq.s32 s7, s2  }
0x1e: {  	s7 =	smul.u32 @!p0 $0xF7A, s2;
	p2 =	seq.s32 @!p0 s5, $0x0  }
0x1f: {  	s9 =	smul.u32 $0xF7A, s1;
	s8 =	simm.s32 @!p0 $0x1BF5;
	p2 =	por !p2, p0  }
0x20: {  	[sflag:s8] =	ssyncset.s32 @!p0 $0xFFFFF086;
	s6 =	sadd.s32 @!p0 s3, s7;
	s7 =	simm.s32 @!p0 $0x108  }
0x21: {  	s3 =	sadd.s32 s3, s9;
	s6 =	sadd.s32 @!p0 $0x88, s6;
	s7 =	simm.s32 @p2 $0x1082  }
0x22: {  	[simem:s7], [sflag:s8] =	dma.local @!p0 [hbm:s6], $0xF7A  }
0x23: {  	s9 =	sor.u32 $0xD0000000, s2;
	s6 =	simm.s32 $0x108;
	_ =	swait.ge @!p0 [sflag:s8], $0x0  }
0x24: {  	s3 =	sadd.s32 $0x88, s3;
	s6 =	simm.s32 @!p1 $0x1082;
	[sflag:s4] =	ssyncset.s32 $0xFFFFF086  }
0x25: {  	[simem:s6], [sflag:s4] =	dma.local [hbm:s3], $0xF7A  }
0x26: {  	[smem:$0x3FA0] =	sst s1;
	(tag) =	ssettag s2;
	_ =	strace s9  }
0x27: {  	s1 =	sld [smem:$0x3FB0]  }
0x28: {  	s2 =	sld [smem:$0x3FB1]  }
0x29: {  	s4 =	sld [smem:$0x3FB3]  }
0x2a: {  	p0 =	seq.s32 s5, $0x0;
	s5 =	sld [smem:$0x3FB4]  }
0x2b: {  	s6 =	sld [smem:$0x3FB5]  }
0x2c: {  	s7 =	sld [smem:$0x3FB6]  }
0x2d: {  	s3 =	simm.s32 $0x108;
	s8 =	sld [smem:$0x3FB7]  }
0x2e: {  	s3 =	simm.s32 @!p0 $0x1082;
	s9 =	sld [smem:$0x3FB8]  }
0x2f: {  	lr =	sadd.s32 s0, s3;
	s0 =	sld [smem:$0x3FAF]  }
0x30: {  	s3 =	sld [smem:$0x3FB2]  }
0x31: {  	[smem:$0x3FBB] =	sst s10  }
0x32: {  	s10 =	sld [smem:$0x3FB9];
	_ =	sdelay $0x3  }
0x33: {  	p0 =	seq.s32 s10, $0x1;
	s10 =	sld [smem:$0x3FBB];
	_ =	sdelay $0x3  }
0x34: {  	[smem:$0x3FBB] =	sst s10  }
0x35: {  	s10 =	sld [smem:$0x3FBA];
	_ =	sdelay $0x3  }
0x36: {  	p1 =	seq.s32 s10, $0x1;
	s10 =	sld [smem:$0x3FBB];
	_ =	sdelay $0x3  }
0x37: {  	[smem:$0x3FBB] =	sst s10  }
0x38: {  	s10 =	sld [smem:$0x3FBC]  }
0x39: {  	_ = 	snop;
	(pc) =	sbr.ind lr, $3  }
0x3a: {  	_ = 	snop  }
0x3b: {  	_ = 	snop  }
0x3c: {  	p2 =	seq.s32 s10, $0x1;
	s10 =	sld [smem:$0x3FBB]  }
0x3d: {  	_ =	shalt  }
0x3e: {  	_ =	shalt  }
0x3f: {  	_ =	shalt  }
0x40: {  	_ =	shalt  }
0x41: {  	_ =	shalt  }
0x42: {  	_ =	shalt  }
0x43: {  	_ =	shalt  }
0x44: {  	_ =	shalt  }
0x45: {  	_ =	shalt  }
0x46: {  	_ =	shalt  }
0x47: {  	_ =	shalt  }
0x48: {  	_ =	shalt  }
0x49: {  	_ =	shalt  }
0x4a: {  	_ =	shalt  }
0x4b: {  	_ =	shalt  }
0x4c: {  	_ =	shalt  }
0x4d: {  	_ =	shalt  }
0x4e: {  	_ =	shalt  }
0x4f: {  	_ =	shalt  }
0x50: {  	_ =	shalt  }
0x51: {  	_ =	shalt  }
0x52: {  	_ =	shalt  }
0x53: {  	_ =	shalt  }
0x54: {  	_ =	shalt  }
0x55: {  	_ =	shalt  }
0x56: {  	_ =	shalt  }
0x57: {  	_ =	shalt  }
0x58: {  	_ =	shalt  }
0x59: {  	_ =	shalt  }
0x5a: {  	_ =	shalt  }
0x5b: {  	_ =	shalt  }
0x5c: {  	_ =	shalt  }
0x5d: {  	_ =	shalt  }
0x5e: {  	_ =	shalt  }
0x5f: {  	_ =	shalt  }
0x60: {  	_ =	shalt  }
0x61: {  	_ =	shalt  }
0x62: {  	_ =	shalt  }
0x63: {  	_ =	shalt  }
0x64: {  	_ =	shalt  }
0x65: {  	_ =	shalt  }
0x66: {  	_ =	shalt  }
0x67: {  	_ =	shalt  }
0x68: {  	_ =	shalt  }
0x69: {  	_ =	shalt  }
0x6a: {  	_ =	shalt  }
0x6b: {  	_ =	shalt  }
0x6c: {  	_ =	shalt  }
0x6d: {  	_ =	shalt  }
0x6e: {  	_ =	shalt  }
0x6f: {  	_ =	shalt  }
0x70: {  	_ =	shalt  }
0x71: {  	_ =	shalt  }
0x72: {  	_ =	shalt  }
0x73: {  	_ =	shalt  }
0x74: {  	_ =	shalt  }
0x75: {  	_ =	shalt  }
0x76: {  	_ =	shalt  }
0x77: {  	_ =	shalt  }
0x78: {  	_ =	shalt  }
0x79: {  	_ =	shalt  }
0x7a: {  	_ =	shalt  }
0x7b: {  	_ =	shalt  }
0x7c: {  	_ =	shalt  }
0x7d: {  	_ =	shalt  }
0x7e: {  	_ =	shalt  }
0x7f: {  	_ =	shalt  }
0x80: {  	_ =	shalt  }
0x81: {  	_ =	shalt  }
0x82: {  	_ =	shalt  }
0x83: {  	_ =	shalt  }
0x84: {  	_ =	shalt  }
0x85: {  	_ =	shalt  }
0x86: {  	_ =	shalt  }
0x87: {  	_ =	shalt  }
.Lfunc_end0:
.L_simem_size_0:
called_computation_lowered:
.L_overlay_start_0:
0x88: {  	s2 =	sld [smem:$0x3FD9]  }
0x89: {  	s3 =	sld [smem:$0x3FFE];
	_ =	sdelay $0x1  }
0x8a: {  	s1 =	srdreg.scid  }
0x8b: {  	s0 =	sand.u32 $0x1, s1  }
0x8c: {  	s17 =	sshll.u32 s0, $0xA;
	s2 =	sadd.s32 s3, s2  }
0x8d: {  	s2 =	sadd.s32 s2, s17  }
0x8e: {  	[smem:$0x3FC7] =	sst s2  }
0x8f: {  	_ = 	snop  }
0x90: {  	s2 =	sld [smem:$0x3FC9]  }
0x91: {  	s18 =	sld [smem:$0x3FD0];
	(tm) =	ssettm $0x1  }
0x92: {  	s4 =	sld [smem:$0x3FFB];
	_ =	sdelay $0x3  }
0x93: {  	_ =	strace s4  }
0x94: {  	s4 =	sld [smem:$0x3FFC];
	_ =	sdelay $0x3  }
0x95: {  	_ =	strace s4  }
0x96: {  	s4 =	sld [smem:$0x3FFD];
	_ =	sdelay $0x3  }
0x97: {  	_ =	strace s4  }
0x98: {  	_ =	strace $0x8FFFFFFF  }
0x99: {  	s19 =	sld [smem:$0x3FDB];
	_ =	sdelay $0x1  }
0x9a: {  	s5 =	simm.s32 $_scs_section_size  }
0x9b: {  	s6 =	simm.s32 $_size__tile_overlayer_lowered;
	s7 =	simm.s32 $_tile_overlayer_lowered  }
0x9c: {  	s22 =	simm.s32 $0x1BFF;
	s21 =	sshll.u32 s7, $0x1;
	s4 =	sadd.s32 s5, s19  }
0x9d: {  	s8 =	simm.s32 $0x0;
	s20 =	sshll.u32 s6, $0x1;
	s6 =	sadd.s32 s21, s4  }
0x9e: {  	[timem:s8], [sflag:s22] =	dma.local [hbm:s6], s20  }
0x9f: {  	_ =	swait.ge [sflag:s22], s20  }
0xa0: {  	s5 =	ssub.s32 $0x0, s20;
	[sflag:s22] =	ssyncset.done $0x0  }
0xa1: {  	[sflag:s22] =	ssyncadd.s32 s5;
	_ =	sdelay $0x1  }
0xa2: {  	s23 =	simm.s32 $0x1B8B  }
0xa3: {  	_ =	swait.ge [sflag:s23], $0x1  }
0xa4: {  	[sflag:s23] =	ssyncset.done $0x0  }
0xa5: {  	s25 =	simm.s32 $0x1B8E;
	s24 =	sld [smem:$0x3FFE];
	[sflag:s23] =	ssyncadd.s32 $0xFFFFFFFF  }
0xa6: {  	s26 =	simm.s32 $execute0_lowered;
	[smem:$0x3FD2] =	sst s25  }
0xa7: {  	s6 =	sshll.u32 s26, $0x1;
	_ =	strace $0x80000046;
	[dreg:$0x1] =	wrdreg $0xFFFFFFFF  }
0xa8: {  	s28 =	simm.s32 $_size_execute0_lowered;
	s4 =	sadd.s32 s4, s6;
	[dreg:$0x0] =	wrdreg $0x0  }
0xa9: {  	s6 =	sshll.u32 s28, $0x1;
	[dreg:$0x2] =	wrdreg s4  }
0xaa: {  	[dreg:$0x3] =	wrdreg s6  }
0xab: {  	[dreg:$0x4] =	wrdreg $0xC0  }
0xac: {  	_ =	task [dreg:s8], $0x5FFFF  }
0xad: {  	[dreg:$0x1] =	wrdreg $0xFFFFFFFF  }
0xae: {  	[dreg:$0x0] =	wrdreg $0x60  }
0xaf: {  	[dreg:$0x2] =	wrdreg s2  }
0xb0: {  	[dreg:$0x3] =	wrdreg s24  }
0xb1: {  	[dreg:$0x4] =	wrdreg s18  }
0xb2: {  	[dreg:$0x5] =	wrdreg $0x9  }
0xb3: {  	_ =	task.clear_ibuf [dreg:s8], $0x6FFFF;
	_ =	strace $0x90000046  }
0xb4: {  	s29 =	simm.s32 $0x9;
	_ =	strace $0x80000048  }
0xb5: {  	_ =	swait.ge [sflag:s29], $0x1  }
0xb6: {  	[sflag:s29] =	ssyncadd.s32 $0xFFFFFFFF  }
0xb7: {  	_ =	strace $0x90000048  }
0xb8: {  	_ =	sfence  }
0xb9: {  	s30 =	sld [smem:$0x0];
	_ =	sdelay $0x2  }
0xba: {  	s31 =	sshll.u32 s1, $0xD;
	s1 =	sshrl.u32 s1, $0x2  }
0xbb: {  	s3 =	sand.u32 $0x4000, s31;
	s1 =	sadd.s32 s1, s30  }
0xbc: {  	s0 =	sor.u32 s3, s0;
	s1 =	sshll.u32 s1, $0x11  }
0xbd: {  	s0 =	sor.u32 s1, s0  }
0xbe: {  	s0 =	sadd.s32 $0x8F2B, s0  }
0xbf: {  	[sflag:s0] =	ssyncadd.remote.s32 $0x1  }
0xc0: {  	_ =	sfence.sel $0xFFFF  }
0xc1: {  	[dreg:$0x0] =	wrdreg $0xFFFFFFFF;
	(pc) =	sbr.abs _section_cstart, $3  }
0xc2: {  	[dreg:$0x1] =	wrdreg $0xFFFFFFFF  }
0xc3: {  	_ =	task.clear_ibuf [dreg:s8], $0x2FFFF;
	_ =	strace $0x9FFFFFFF  }
0xc4: {  	(tm) =	ssettm $0x7FFFFFFF  }
0xc5: {  	_ =	shalt  }
tec
execute0_lowered:
.L_overlay_start_1:
0x0: {  	(tag) =	ssettag $0x1  }
0x1: {  	s1 =	rddreg [dreg:$0x0]  }
0x2: {  	s0 =	rddreg [dreg:$0x1]  }
0x3: {  	s3 =	rddreg [dreg:$0x2]  }
0x4: {  	s4 =	simm.s32 $0x0;
	s2 =	srdreg.scid;
	s5 =	stileid.u32  }
0x5: {  	s20 =	simm.s32 $0x8000;
	s21 =	simm.s32 $0xC000;
	s22 =	simm.s32 $0x18400  }
0x6: {  	s23 =	simm.s32 $0x1;
	s24 =	simm.s32 $0x10000;
	s28 =	simm.s32 $0x3  }
0x7: {  	s29 =	simm.s32 $0x4;
	s2 =	sand.u32 $0x1, s2;
	s5 =	sshll.u32 s5, $0x1  }
0x8: {  	v1 =	vlaneseq.u32;
	s30 =	simm.s32 $0x0;
	s7 =	ssub.s32 $0x2, s2;
	s2 =	sor.u32 s2, s5  }
0x9: {  	[smem:$0x7FF] =	sst s4;
	s6 =	sadd.s32 $0x400, s0;
	v0 =	vand.u32 $0x7, v1;
	s9 =	smul.u32 $0x30000, s2  }
0xa: {  	_ =	strace $0x80000047;
	v0 =	vmul.u32 $0x10, v0;
	s8 =	sshrl.u32 s7, $0x1;
	s10 =	smul.u32 $0x3000, s2  }
0xb: {  	v1 =	vmul.u32 $0x80, v1;
	s5 =	sadd.s32 $0x60400, s0;
	s25 =	ssub.s32 s7, s8;
	s7 =	smul.u32 $0x60, s2  }
.Ltmp0:
0xc: {  	v2 =	vor.u32 $0x1, v0;
	v3 =	vor.u32 $0x2, v0;
	v4 =	vor.u32 $0x3, v0;
	s26 =	sadd.s32 s1, s9;
	s31 =	sor.u32 $0x800, s9;
	(pc) =	sbr.rel .LBB2_1-.Ltmp0, $4  }
0xd: {  	v5 =	vor.u32 $0x4, v0;
	v6 =	vor.u32 $0x5, v0;
	v7 =	vor.u32 $0x6, v0;
	s9 =	sadd.s32 s5, s9;
	s10 =	sadd.s32 s6, s10;
	s17 =	smax.u32 s25, $0x1  }
0xe: {  	v8 =	vor.u32 $0x7, v0;
	v9 =	vor.u32 $0x8, v0;
	v10 =	vor.u32 $0x9, v0;
	s25 =	simm.s32 $0x2;
	[dreg:$0x4] =	wrdreg s26;
	s11 =	sadd.s32 s1, s31  }
0xf: {  	v11 =	vor.u32 $0xA, v0;
	v12 =	vor.u32 $0xB, v0;
	v13 =	vor.u32 $0xC, v0;
	s12 =	sadd.s32 s5, s31;
	s13 =	sadd.s32 $0x80, s10;
	s14 =	sor.u32 $0x2, s7  }
0x10: {  	v14 =	vor.u32 $0xD, v0;
	v15 =	vor.u32 $0xE, v0;
	v16 =	vor.u32 $0xF, v0;
	s15 =	sor.u32 $0x1, s7;
	s16 =	sor.u32 $0x3, s7;
	s26 =	simm.s32 $0x14000  }
.LBB2_8:
0x11: {  	s30 =	sadd.s32 $0x1, s30  }
0x12: {  	_ =	swait.ge [sflag:s28], $0x4000;
	p0 =	sne.s32 s30, s17  }
.Ltmp1:
0x13: {  	[sflag:s28] =	ssyncset.done $0x0;
	(pc) =	sbr.rel @!p0 .LBB2_9-.Ltmp1, $4  }
0x14: {  	[sflag:s28] =	ssyncadd.s32 $0xFFFFC000  }
0x15: {  	_ =	swait.ge [sflag:s29], $0x4000  }
0x16: {  	[sflag:s29] =	ssyncset.done $0x0  }
0x17: {  	[sflag:s29] =	ssyncadd.s32 $0xFFFFC000  }
.LBB2_1:
0x18: {  	s0 =	rddreg [dreg:$0x4]  }
0x19: {  	[tilespmem:s4], [sflag:$0x1] =	stream.linear.gather [hbm4b:s0+s4], $0x4000, $0x38;
	[tilespmem:$0x18800] =	vst v63  }
0x1a: {  	s18 =	simm.s32 $0x4000  }
0x1b: {  	[tilespmem:s18], [sflag:$0x1] =	stream.linear.gather [hbm4b:s9+s4], $0x4000, $0x38;
	[tilespmem:$0x18800] =	vst v63  }
0x1c: {  	s19 =	simm.s32 $0x18000  }
0x1d: {  	[tilespmem:s19], [sflag:$0x1] =	stream.linear.gather [hbm4b:s10+s4], $0x400, $0x38;
	[tilespmem:$0x18800] =	vst v63  }
0x1e: {  	_ = 	snop  }
0x1f: {  	[tilespmem:s20], [sflag:$0x2] =	stream.linear.gather [hbm4b:s11+s4], $0x4000, $0x38;
	[tilespmem:$0x18800] =	vst v63  }
0x20: {  	_ = 	snop  }
0x21: {  	[tilespmem:s21], [sflag:$0x2] =	stream.linear.gather [hbm4b:s12+s4], $0x4000, $0x38;
	[tilespmem:$0x18800] =	vst v63  }
0x22: {  	s31 =	simm.s32 $0x0  }
0x23: {  	[tilespmem:s22], [sflag:$0x2] =	stream.linear.gather [hbm4b:s13+s4], $0x400, $0x38;
	[tilespmem:$0x18800] =	vst v63  }
.LBB2_2:
0x24: {  	_ =	swait.ge [sflag:s23], $0x4000  }
0x25: {  	[sflag:s23] =	ssyncset.done $0x0  }
0x26: {  	[sflag:s23] =	ssyncadd.s32 $0xFFFFC000  }
0x27: {  	_ =	swait.ge [sflag:s23], $0x4000  }
0x28: {  	[sflag:s23] =	ssyncset.done $0x0  }
0x29: {  	[sflag:s23] =	ssyncadd.s32 $0xFFFFC000  }
0x2a: {  	_ =	swait.ge [sflag:s23], $0x400  }
0x2b: {  	p0 =	seq.s32 s31, $0x0;
	[sflag:s23] =	ssyncset.done $0x0  }
0x2c: {  	s0 =	simm.s32 @!p0 $0x3;
	[sflag:s23] =	ssyncadd.s32 $0xFFFFFC00  }
0x2d: {  	_ =	swait.ge @!p0 [sflag:s0], $0x4000  }
0x2e: {  	[sflag:s0] =	ssyncset.done @!p0 $0x0  }
0x2f: {  	s19 =	simm.s32 $0x18000;
	[sflag:s0] =	ssyncadd.s32 @!p0 $0xFFFFC000  }
0x30: {  	s2 =	simm.s32 $0x0;
	v17 =	vld [tilespmem:s19+$0x0]  }
0x31: {  	v18 =	vmov s2  }
0x32: {  	v19 =	vshll.u32 v18, $0x7  }
0x33: {  	v19 =	vor.u32 v1, v19  }
0x34: {  	v18 =	vand.u32 $0x380, v18;
	v19 =	vand.u32 $0x3C00, v19  }
0x35: {  	v21 =	vor.u32 v18, v19;
	v17 =	vshll.u32 v17, $0xE  }
0x36: {  	v28 =	vor.u32 v17, v21  }
0x37: {  	v17 =	vor.u32 v0, v28;
	_ =	sdelay $0x4  }
0x38: {  	v18 =	vor.u32 v0, v21;
	v17 =	vld.idx.msk [tilespmem:v17+s4+$0x0], $0xffff  }
0x39: {  	v19 =	vor.u32 v2, v28;
	_ =	sdelay $0x1  }
0x3a: {  	s2 =	simm.s32 $0x18010  }
0x3b: {  	s8 =	simm.s32 $0x10;
	v20 =	vld [tilespmem:s2+$0x0]  }
0x3c: {  	v22 =	vmov s8;
	[tilespmem:v18+s24+$0x0] =	vst.idx.msk $0xffff, v17  }
0x3d: {  	v23 =	vor.u32 v2, v21;
	v17 =	vshll.u32 v22, $0x7;
	v19 =	vld.idx.msk [tilespmem:v19+s4+$0x0], $0xffff  }
0x3e: {  	v24 =	vor.u32 v3, v28;
	v17 =	vor.u32 v1, v17  }
0x3f: {  	v18 =	vand.u32 $0x380, v22;
	v17 =	vand.u32 $0x3C00, v17  }
0x40: {  	v20 =	vshll.u32 v20, $0xE;
	v18 =	vor.u32 v18, v17  }
0x41: {  	v17 =	vor.u32 v20, v18  }
0x42: {  	[tilespmem:v23+s24+$0x0] =	vst.idx.msk $0xffff, v19;
	v19 =	vor.u32 v0, v17  }
0x43: {  	v22 =	vor.u32 v3, v21;
	v20 =	vld.idx.msk [tilespmem:v24+s4+$0x0], $0xffff  }
0x44: {  	v23 =	vor.u32 v4, v28;
	_ =	sdelay $0x2  }
0x45: {  	v24 =	vor.u32 v0, v18;
	v19 =	vld.idx.msk [tilespmem:v19+s4+$0x0], $0xffff  }
0x46: {  	[tilespmem:v22+s24+$0x0] =	vst.idx.msk $0xffff, v20;
	v20 =	vor.u32 v2, v17  }
0x47: {  	v22 =	vld.idx.msk [tilespmem:v23+s4+$0x0], $0xffff;
	v23 =	vor.u32 v4, v21  }
0x48: {  	s18 =	simm.s32 $0x18020;
	v25 =	vor.u32 v5, v28  }
0x49: {  	s19 =	simm.s32 $0x20;
	v26 =	vld [tilespmem:s18+$0x0]  }
0x4a: {  	v27 =	vmov s19;
	[tilespmem:v24+s24+$0x0] =	vst.idx.msk $0xffff, v19  }
0x4b: {  	v29 =	vor.u32 v2, v18;
	v19 =	vshll.u32 v27, $0x7;
	v24 =	vld.idx.msk [tilespmem:v20+s4+$0x0], $0xffff  }
0x4c: {  	v19 =	vor.u32 v1, v19;
	[tilespmem:v23+s24+$0x0] =	vst.idx.msk $0xffff, v22;
	v22 =	vor.u32 v3, v17  }
0x4d: {  	v20 =	vand.u32 $0x380, v27;
	v19 =	vand.u32 $0x3C00, v19;
	v23 =	vld.idx.msk [tilespmem:v25+s4+$0x0], $0xffff;
	v25 =	vor.u32 v5, v21  }
0x4e: {  	v26 =	vshll.u32 v26, $0xE;
	v27 =	vor.u32 v6, v28;
	v19 =	vor.u32 v20, v19  }
0x4f: {  	v20 =	vor.u32 v26, v19  }
0x50: {  	[tilespmem:v29+s24+$0x0] =	vst.idx.msk $0xffff, v24;
	v24 =	vor.u32 v0, v20  }
0x51: {  	v26 =	vor.u32 v3, v18;
	v22 =	vld.idx.msk [tilespmem:v22+s4+$0x0], $0xffff  }
0x52: {  	[tilespmem:v25+s24+$0x0] =	vst.idx.msk $0xffff, v23;
	v23 =	vor.u32 v4, v17  }
0x53: {  	v25 =	vld.idx.msk [tilespmem:v27+s4+$0x0], $0xffff;
	v27 =	vor.u32 v6, v21  }
0x54: {  	v29 =	vor.u32 v7, v28  }
0x55: {  	v30 =	vor.u32 v0, v19;
	v24 =	vld.idx.msk [tilespmem:v24+s4+$0x0], $0xffff  }
0x56: {  	[tilespmem:v26+s24+$0x0] =	vst.idx.msk $0xffff, v22;
	v22 =	vor.u32 v2, v20  }
0x57: {  	v26 =	vor.u32 v4, v18;
	v23 =	vld.idx.msk [tilespmem:v23+s4+$0x0], $0xffff  }
0x58: {  	[tilespmem:v27+s24+$0x0] =	vst.idx.msk $0xffff, v25;
	v25 =	vor.u32 v5, v17  }
0x59: {  	s8 =	simm.s32 $0x18030;
	v27 =	vld.idx.msk [tilespmem:v29+s4+$0x0], $0xffff;
	v29 =	vor.u32 v7, v21  }
0x5a: {  	s18 =	simm.s32 $0x30;
	v31 =	vld [tilespmem:s8+$0x0];
	[tilespmem:v30+s24+$0x0] =	vst.idx.msk $0xffff, v24;
	v24 =	vor.u32 v8, v28  }
0x5b: {  	v33 =	vor.u32 v2, v19;
	v30 =	vmov s18;
	v32 =	vld.idx.msk [tilespmem:v22+s4+$0x0], $0xffff  }
0x5c: {  	v22 =	vshll.u32 v30, $0x7;
	[tilespmem:v26+s24+$0x0] =	vst.idx.msk $0xffff, v23;
	v26 =	vor.u32 v3, v20  }
0x5d: {  	v34 =	vor.u32 v5, v18;
	v22 =	vor.u32 v1, v22;
	v25 =	vld.idx.msk [tilespmem:v25+s4+$0x0], $0xffff  }
0x5e: {  	v23 =	vand.u32 $0x380, v30;
	v22 =	vand.u32 $0x3C00, v22;
	[tilespmem:v29+s24+$0x0] =	vst.idx.msk $0xffff, v27;
	v27 =	vor.u32 v6, v17  }
0x5f: {  	v30 =	vor.u32 v8, v21;
	v29 =	vshll.u32 v31, $0xE;
	v22 =	vor.u32 v23, v22;
	v24 =	vld.idx.msk [tilespmem:v24+s4+$0x0], $0xffff  }
0x60: {  	v23 =	vor.u32 v29, v22;
	v29 =	vor.u32 v9, v28;
	[tilespmem:v33+s24+$0x0] =	vst.idx.msk $0xffff, v32  }
0x61: {  	v40 =	vor.u32 v3, v19;
	v31 =	vor.u32 v0, v23;
	v26 =	vld.idx.msk [tilespmem:v26+s4+$0x0], $0xffff  }
0x62: {  	[tilespmem:v34+s24+$0x0] =	vst.idx.msk $0xffff, v25;
	v25 =	vor.u32 v4, v20  }
0x63: {  	v41 =	vor.u32 v6, v18;
	v27 =	vld.idx.msk [tilespmem:v27+s4+$0x0], $0xffff  }
0x64: {  	[tilespmem:v30+s24+$0x0] =	vst.idx.msk $0xffff, v24;
	v24 =	vor.u32 v7, v17  }
0x65: {  	v30 =	vor.u32 v9, v21;
	v29 =	vld.idx.msk [tilespmem:v29+s4+$0x0], $0xffff  }
0x66: {  	v42 =	vor.u32 v0, v22;
	v31 =	vld.idx.msk [tilespmem:v31+s4+$0x0], $0xffff;
	[tilespmem:v40+s24+$0x0] =	vst.idx.msk $0xffff, v26;
	v26 =	vor.u32 v10, v28  }
0x67: {  	v35 =	vor.u32 v4, v19;
	v43 =	vor.u32 v2, v23;
	v25 =	vld.idx.msk [tilespmem:v25+s4+$0x0], $0xffff  }
0x68: {  	[tilespmem:v41+s24+$0x0] =	vst.idx.msk $0xffff, v27;
	v27 =	vor.u32 v5, v20  }
0x69: {  	s8 =	simm.s32 $0x18040;
	v44 =	vor.u32 v7, v18;
	v24 =	vld.idx.msk [tilespmem:v24+s4+$0x0], $0xffff  }
0x6a: {  	s19 =	simm.s32 $0x40;
	v36 =	vld [tilespmem:s8+$0x0];
	[tilespmem:v30+s24+$0x0] =	vst.idx.msk $0xffff, v29;
	v29 =	vor.u32 v8, v17  }
0x6b: {  	v37 =	vmov s19;
	v46 =	vor.u32 v11, v28;
	[tilespmem:v42+s24+$0x0] =	vst.idx.msk $0xffff, v31;
	v31 =	vor.u32 v10, v21;
	v26 =	vld.idx.msk [tilespmem:v26+s4+$0x0], $0xffff  }
0x6c: {  	v45 =	vor.u32 v2, v22;
	v30 =	vshll.u32 v37, $0x7;
	v32 =	vld.idx.msk [tilespmem:v43+s4+$0x0], $0xffff;
	[tilespmem:v35+s24+$0x0] =	vst.idx.msk $0xffff, v25  }
0x6d: {  	v38 =	vor.u32 v5, v19;
	v25 =	vor.u32 v1, v30;
	v30 =	vor.u32 v3, v23;
	v27 =	vld.idx.msk [tilespmem:v27+s4+$0x0], $0xffff  }
0x6e: {  	v47 =	vor.u32 v6, v20;
	v37 =	vand.u32 $0x380, v37;
	[tilespmem:v44+s24+$0x0] =	vst.idx.msk $0xffff, v24;
	v24 =	vand.u32 $0x3C00, v25  }
0x6f: {  	v48 =	vor.u32 v8, v18;
	v25 =	vshll.u32 v36, $0xE;
	v29 =	vld.idx.msk [tilespmem:v29+s4+$0x0], $0xffff;
	v24 =	vor.u32 v37, v24  }
0x70: {  	[tilespmem:v31+s24+$0x0] =	vst.idx.msk $0xffff, v26;
	v25 =	vor.u32 v25, v24;
	v26 =	vor.u32 v9, v17  }
0x71: {  	v50 =	vor.u32 v11, v21;
	[tilespmem:v45+s24+$0x0] =	vst.idx.msk $0xffff, v32;
	v31 =	vld.idx.msk [tilespmem:v46+s4+$0x0], $0xffff;
	v49 =	vor.u32 v0, v25  }
0x72: {  	v51 =	vor.u32 v3, v22;
	v30 =	vld.idx.msk [tilespmem:v30+s4+$0x0], $0xffff;
	[tilespmem:v38+s24+$0x0] =	vst.idx.msk $0xffff, v27;
	v27 =	vor.u32 v12, v28  }
0x73: {  	s19 =	simm.s32 $0x18050;
	v53 =	vor.u32 v6, v19;
	v52 =	vor.u32 v4, v23;
	v33 =	vld.idx.msk [tilespmem:v47+s4+$0x0], $0xffff  }
0x74: {  	v40 =	vld [tilespmem:s19+$0x0];
	[tilespmem:v48+s24+$0x0] =	vst.idx.msk $0xffff, v29;
	v29 =	vor.u32 v7, v20  }
0x75: {  	v56 =	vor.u32 v12, v21;
	v54 =	vor.u32 v9, v18;
	v26 =	vld.idx.msk [tilespmem:v26+s4+$0x0], $0xffff  }
0x76: {  	v55 =	vor.u32 v10, v17;
	v32 =	vld.idx.msk [tilespmem:v49+s4+$0x0], $0xffff;
	[tilespmem:v50+s24+$0x0] =	vst.idx.msk $0xffff, v31;
	v31 =	vor.u32 v0, v24  }
0x77: {  	v57 =	vor.u32 v13, v28;
	[tilespmem:v51+s24+$0x0] =	vst.idx.msk $0xffff, v30;
	v30 =	vor.u32 v2, v25;
	v27 =	vld.idx.msk [tilespmem:v27+s4+$0x0], $0xffff  }
0x78: {  	v61 =	vor.u32 v10, v18;
	v39 =	vor.u32 v4, v22;
	v37 =	vld.idx.msk [tilespmem:v52+s4+$0x0], $0xffff;
	[tilespmem:v53+s24+$0x0] =	vst.idx.msk $0xffff, v33  }
0x79: {  	v63 =	vor.u32 v11, v17;
	s18 =	simm.s32 $0x50;
	v58 =	vor.u32 v5, v23;
	v42 =	vor.u32 v7, v19;
	v29 =	vld.idx.msk [tilespmem:v29+s4+$0x0], $0xffff  }
0x7a: {  	v41 =	vmov s18;
	v43 =	vor.u32 v5, v22;
	v62 =	vor.u32 v2, v24;
	[tilespmem:v54+s24+$0x0] =	vst.idx.msk $0xffff, v26  }
0x7b: {  	v59 =	vand.u32 $0x380, v41;
	v26 =	vshll.u32 v41, $0x7;
	[tilespmem:v31+s24+$0x0] =	vst.idx.msk $0xffff, v32;
	v31 =	vor.u32 v8, v20;
	v60 =	vld.idx.msk [tilespmem:v55+s4+$0x0], $0xffff  }
0x7c: {  	v45 =	vor.u32 v3, v25;
	v26 =	vor.u32 v1, v26;
	v30 =	vld.idx.msk [tilespmem:v30+s4+$0x0], $0xffff;
	[tilespmem:v56+s24+$0x0] =	vst.idx.msk $0xffff, v27  }
0x7d: {  	v46 =	vor.u32 v13, v21;
	[tilespmem:v39+s24+$0x0] =	vst.idx.msk $0xffff, v37;
	v26 =	vand.u32 $0x3C00, v26;
	v27 =	vshll.u32 v40, $0xE;
	v33 =	vld.idx.msk [tilespmem:v57+s4+$0x0], $0xffff  }
0x7e: {  	v38 =	vld.idx.msk [tilespmem:v58+s4+$0x0], $0xffff;
	v26 =	vor.u32 v59, v26;
	[tilespmem:v42+s24+$0x0] =	vst.idx.msk $0xffff, v29;
	v29 =	vor.u32 v14, v28  }
0x7f: {  	v47 =	vor.u32 v6, v23;
	v27 =	vor.u32 v27, v26  }
0x80: {  	v48 =	vor.u32 v8, v19;
	v50 =	vor.u32 v0, v27;
	v31 =	vld.idx.msk [tilespmem:v31+s4+$0x0], $0xffff;
	[tilespmem:v61+s24+$0x0] =	vst.idx.msk $0xffff, v60  }
0x81: {  	v49 =	vor.u32 v9, v20;
	v51 =	vor.u32 v11, v18;
	[tilespmem:v62+s24+$0x0] =	vst.idx.msk $0xffff, v30;
	v30 =	vld.idx.msk [tilespmem:v63+s4+$0x0], $0xffff  }
0x82: {  	v53 =	vor.u32 v3, v24;
	v54 =	vor.u32 v12, v17;
	v52 =	vld.idx.msk [tilespmem:v45+s4+$0x0], $0xffff;
	[tilespmem:v46+s24+$0x0] =	vst.idx.msk $0xffff, v33  }
0x83: {  	v55 =	vor.u32 v4, v25;
	v56 =	vor.u32 v14, v21;
	[tilespmem:v43+s24+$0x0] =	vst.idx.msk $0xffff, v38;
	v29 =	vld.idx.msk [tilespmem:v29+s4+$0x0], $0xffff  }
0x84: {  	v58 =	vor.u32 v6, v22;
	v57 =	vld.idx.msk [tilespmem:v47+s4+$0x0], $0xffff  }
0x85: {  	v35 =	vor.u32 v10, v19;
	v59 =	vor.u32 v7, v23;
	v34 =	vld.idx.msk [tilespmem:v50+s4+$0x0], $0xffff;
	[tilespmem:v48+s24+$0x0] =	vst.idx.msk $0xffff, v31  }
0x86: {  	v61 =	vor.u32 v0, v26;
	v31 =	vor.u32 v15, v28;
	v60 =	vld.idx.msk [tilespmem:v49+s4+$0x0], $0xffff;
	[tilespmem:v51+s24+$0x0] =	vst.idx.msk $0xffff, v30  }
0x87: {  	v44 =	vor.u32 v9, v19;
	v47 =	vor.u32 v2, v27;
	[tilespmem:v53+s24+$0x0] =	vst.idx.msk $0xffff, v52;
	v46 =	vld.idx.msk [tilespmem:v54+s4+$0x0], $0xffff  }
0x88: {  	s18 =	simm.s32 $0x18060;
	v45 =	vor.u32 v10, v20;
	v48 =	vor.u32 v12, v18;
	v39 =	vld.idx.msk [tilespmem:v55+s4+$0x0], $0xffff;
	[tilespmem:v56+s24+$0x0] =	vst.idx.msk $0xffff, v29  }
0x89: {  	s8 =	simm.s32 $0x60;
	v41 =	vor.u32 v5, v25;
	v40 =	vor.u32 v4, v24;
	[tilespmem:v58+s24+$0x0] =	vst.idx.msk $0xffff, v57;
	v29 =	vld [tilespmem:s18+$0x0]  }
0x8a: {  	v32 =	vor.u32 v13, v17;
	v37 =	vor.u32 v7, v22;
	v62 =	vmov s8;
	v36 =	vld.idx.msk [tilespmem:v59+s4+$0x0], $0xffff  }
0x8b: {  	s0 =	sshll.u32 s31, $0x1;
	v33 =	vor.u32 v15, v21;
	v63 =	vshll.u32 v62, $0x7;
	[tilespmem:v61+s24+$0x0] =	vst.idx.msk $0xffff, v34;
	v31 =	vld.idx.msk [tilespmem:v31+s4+$0x0], $0xffff  }
0x8c: {  	s19 =	sadd.s32 s7, s0;
	v38 =	vor.u32 v8, v23;
	v30 =	vor.u32 v16, v28;
	v42 =	vld.idx.msk [tilespmem:v47+s4+$0x0], $0xffff;
	[tilespmem:v44+s24+$0x0] =	vst.idx.msk $0xffff, v60  }
0x8d: {  	s2 =	sshll.u32 s19, $0xB;
	s19 =	simm.s32 $0x70;
	v43 =	vor.u32 v1, v63;
	v28 =	vand.u32 $0x380, v62;
	v34 =	vld.idx.msk [tilespmem:v45+s4+$0x0], $0xffff;
	[tilespmem:v48+s24+$0x0] =	vst.idx.msk $0xffff, v46  }
.LBB2_3:
0x8e: {  	v44 =	vor.u32 v2, v26;
	[tilespmem:v40+s24+$0x0] =	vst.idx.msk $0xffff, v39  }
0x8f: {  	p1 =	sne.s32 s19, $0x3F0;
	v39 =	vor.u32 v11, v20;
	v32 =	vld.idx.msk [tilespmem:v32+s4+$0x0], $0xffff;
	v45 =	vmovc v20;
	v20 =	vmovc v23;
	v23 =	vmov v25;
	v25 =	vmov v27  }
0x90: {  	v46 =	vor.u32 v13, v18;
	v40 =	vor.u32 v3, v25;
	v41 =	vld.idx.msk [tilespmem:v41+s4+$0x0], $0xffff;
	[tilespmem:v33+s24+$0x0] =	vst.idx.msk $0xffff, v31  }
0x91: {  	v31 =	vor.u32 v5, v24;
	v33 =	vor.u32 v14, v17;
	[tilespmem:v37+s24+$0x0] =	vst.idx.msk $0xffff, v36;
	v30 =	vld.idx.msk [tilespmem:v30+s4+$0x0], $0xffff  }
0x92: {  	v27 =	vand.u32 $0x3C00, v43;
	v36 =	vor.u32 v6, v23;
	v37 =	vld.idx.msk [tilespmem:v38+s4+$0x0], $0xffff;
	v38 =	vor.u32 v16, v21;
	v21 =	vmovc v18  }
0x93: {  	v28 =	vor.u32 v28, v27;
	v18 =	vshll.u32 v29, $0xE;
	v29 =	vor.u32 v8, v22;
	[tilespmem:v35+s24+$0x0] =	vst.idx.msk $0xffff, v34  }
0x94: {  	v27 =	vor.u32 v18, v28;
	v34 =	vor.u32 v9, v20;
	[tilespmem:v44+s24+$0x0] =	vst.idx.msk $0xffff, v42;
	v35 =	vld.idx.msk [tilespmem:v39+s4+$0x0], $0xffff  }
0x95: {  	v39 =	vor.u32 v0, v27;
	v42 =	vor.u32 v11, v19;
	v40 =	vld.idx.msk [tilespmem:v40+s4+$0x0], $0xffff;
	[tilespmem:v46+s24+$0x0] =	vst.idx.msk $0xffff, v32  }
0x96: {  	v32 =	vor.u32 v3, v26;
	[tilespmem:v31+s24+$0x0] =	vst.idx.msk $0xffff, v41;
	v31 =	vor.u32 v12, v45;
	v33 =	vld.idx.msk [tilespmem:v33+s4+$0x0], $0xffff  }
0x97: {  	v43 =	vor.u32 v14, v21;
	v41 =	vor.u32 v4, v25;
	v36 =	vld.idx.msk [tilespmem:v36+s4+$0x0], $0xffff;
	[tilespmem:v38+s24+$0x0] =	vst.idx.msk $0xffff, v30  }
0x98: {  	v18 =	vmov v19;
	v30 =	vor.u32 v6, v24;
	[tilespmem:v29+s24+$0x0] =	vst.idx.msk $0xffff, v37;
	v29 =	vor.u32 v15, v17  }
0x99: {  	v19 =	vmovc v22;
	v22 =	vmovc v24;
	v24 =	vmov v26;
	v26 =	vmov v28;
	v37 =	vor.u32 v7, v23;
	v34 =	vld.idx.msk [tilespmem:v34+s4+$0x0], $0xffff  }
0x9a: {  	v28 =	vor.u32 v9, v19;
	v38 =	vld.idx.msk [tilespmem:v39+s4+$0x0], $0xffff;
	[tilespmem:v42+s24+$0x0] =	vst.idx.msk $0xffff, v35  }
0x9b: {  	v35 =	vor.u32 v0, v26;
	v42 =	vor.u32 v10, v20;
	[tilespmem:v32+s24+$0x0] =	vst.idx.msk $0xffff, v40;
	v44 =	vld.idx.msk [tilespmem:v31+s4+$0x0], $0xffff  }
0x9c: {  	v46 =	vor.u32 v2, v27;
	v47 =	vor.u32 v12, v18;
	v39 =	vld.idx.msk [tilespmem:v41+s4+$0x0], $0xffff;
	[tilespmem:v43+s24+$0x0] =	vst.idx.msk $0xffff, v33  }
.Ltmp2:
0x9d: {  	v40 =	vor.u32 v4, v24;
	v32 =	vor.u32 v13, v45;
	[tilespmem:v30+s24+$0x0] =	vst.idx.msk $0xffff, v36;
	v31 =	vld.idx.msk [tilespmem:v29+s4+$0x0], $0xffff;
	(pc) =	sbr.rel @p1 .LBB2_3-.Ltmp2, $4  }
0x9e: {  	s18 =	sadd.s32 $0x10, s18;
	v41 =	vor.u32 v5, v25;
	v33 =	vor.u32 v15, v21;
	v36 =	vld.idx.msk [tilespmem:v37+s4+$0x0], $0xffff  }
0x9f: {  	v43 =	vmov s19;
	v30 =	vor.u32 v16, v17;
	v17 =	vmovc v45;
	v37 =	vor.u32 v7, v22;
	v29 =	vld [tilespmem:s18+$0x0];
	[tilespmem:v28+s24+$0x0] =	vst.idx.msk $0xffff, v34  }
0xa0: {  	v45 =	vshll.u32 v43, $0x7;
	v28 =	vand.u32 $0x380, v43;
	[tilespmem:v35+s24+$0x0] =	vst.idx.msk $0xffff, v38;
	v38 =	vor.u32 v8, v23;
	v34 =	vld.idx.msk [tilespmem:v42+s4+$0x0], $0xffff  }
0xa1: {  	s19 =	sadd.s32 $0x10, s19;
	v43 =	vor.u32 v1, v45;
	v35 =	vor.u32 v10, v19;
	v42 =	vld.idx.msk [tilespmem:v46+s4+$0x0], $0xffff;
	[tilespmem:v47+s24+$0x0] =	vst.idx.msk $0xffff, v44  }
0xa2: {  	_ = 	snop  }
0xa3: {  	v43 =	vand.u32 $0x3C00, v43  }
0xa4: {  	v28 =	vor.u32 v28, v43;
	v29 =	vshll.u32 v29, $0xE  }
0xa5: {  	v29 =	vor.u32 v29, v28  }
0xa6: {  	v59 =	vor.u32 v0, v29;
	_ =	sdelay $0x4  }
0xa7: {  	v44 =	vor.u32 v0, v28;
	v43 =	vld.idx.msk [tilespmem:v59+s4+$0x0], $0xffff  }
0xa8: {  	v45 =	vor.u32 v2, v29;
	_ =	sdelay $0x3  }
0xa9: {  	v46 =	vor.u32 v2, v26;
	[tilespmem:v44+s24+$0x0] =	vst.idx.msk $0xffff, v43  }
0xaa: {  	v60 =	vor.u32 v3, v27;
	v61 =	vor.u32 v2, v28;
	v44 =	vld.idx.msk [tilespmem:v45+s4+$0x0], $0xffff  }
0xab: {  	v47 =	vor.u32 v3, v29;
	_ =	sdelay $0x2  }
0xac: {  	[tilespmem:v46+s24+$0x0] =	vst.idx.msk $0xffff, v42  }
0xad: {  	v62 =	vor.u32 v3, v26;
	v42 =	vld.idx.msk [tilespmem:v60+s4+$0x0], $0xffff;
	[tilespmem:v61+s24+$0x0] =	vst.idx.msk $0xffff, v44  }
0xae: {  	v63 =	vor.u32 v4, v27;
	v48 =	vor.u32 v3, v28;
	v45 =	vld.idx.msk [tilespmem:v47+s4+$0x0], $0xffff  }
0xaf: {  	v49 =	vor.u32 v4, v29;
	_ =	sdelay $0x2  }
0xb0: {  	[tilespmem:v62+s24+$0x0] =	vst.idx.msk $0xffff, v42  }
0xb1: {  	v50 =	vor.u32 v4, v26;
	v42 =	vld.idx.msk [tilespmem:v63+s4+$0x0], $0xffff;
	[tilespmem:v48+s24+$0x0] =	vst.idx.msk $0xffff, v45  }
0xb2: {  	v51 =	vor.u32 v5, v27;
	v52 =	vor.u32 v4, v28;
	v45 =	vld.idx.msk [tilespmem:v49+s4+$0x0], $0xffff  }
0xb3: {  	v53 =	vor.u32 v5, v29;
	_ =	sdelay $0x1  }
0xb4: {  	[tilespmem:v40+s24+$0x0] =	vst.idx.msk $0xffff, v39  }
0xb5: {  	v54 =	vor.u32 v5, v24;
	v39 =	vld.idx.msk [tilespmem:v41+s4+$0x0], $0xffff;
	[tilespmem:v50+s24+$0x0] =	vst.idx.msk $0xffff, v42  }
0xb6: {  	v55 =	vor.u32 v6, v25;
	v56 =	vor.u32 v5, v26;
	v42 =	vld.idx.msk [tilespmem:v51+s4+$0x0], $0xffff;
	[tilespmem:v52+s24+$0x0] =	vst.idx.msk $0xffff, v45  }
0xb7: {  	v57 =	vor.u32 v6, v27;
	v58 =	vor.u32 v5, v28;
	v45 =	vld.idx.msk [tilespmem:v53+s4+$0x0], $0xffff  }
0xb8: {  	v59 =	vor.u32 v6, v29;
	_ =	sdelay $0x1  }
0xb9: {  	[tilespmem:v54+s24+$0x0] =	vst.idx.msk $0xffff, v39  }
0xba: {  	v60 =	vor.u32 v6, v24;
	v39 =	vld.idx.msk [tilespmem:v55+s4+$0x0], $0xffff;
	[tilespmem:v56+s24+$0x0] =	vst.idx.msk $0xffff, v42  }
0xbb: {  	v62 =	vor.u32 v6, v26;
	v61 =	vor.u32 v7, v25;
	v42 =	vld.idx.msk [tilespmem:v57+s4+$0x0], $0xffff;
	[tilespmem:v58+s24+$0x0] =	vst.idx.msk $0xffff, v45  }
0xbc: {  	v63 =	vor.u32 v7, v27;
	v48 =	vor.u32 v6, v28;
	v45 =	vld.idx.msk [tilespmem:v59+s4+$0x0], $0xffff  }
0xbd: {  	v49 =	vor.u32 v7, v29;
	_ =	sdelay $0x1  }
0xbe: {  	[tilespmem:v60+s24+$0x0] =	vst.idx.msk $0xffff, v39  }
0xbf: {  	v50 =	vor.u32 v7, v24;
	v39 =	vld.idx.msk [tilespmem:v61+s4+$0x0], $0xffff;
	[tilespmem:v62+s24+$0x0] =	vst.idx.msk $0xffff, v42  }
0xc0: {  	v51 =	vor.u32 v8, v25;
	v42 =	vld.idx.msk [tilespmem:v63+s4+$0x0], $0xffff;
	v52 =	vor.u32 v7, v26;
	[tilespmem:v48+s24+$0x0] =	vst.idx.msk $0xffff, v45  }
0xc1: {  	v54 =	vor.u32 v7, v28;
	v53 =	vor.u32 v8, v27;
	v45 =	vld.idx.msk [tilespmem:v49+s4+$0x0], $0xffff  }
0xc2: {  	v55 =	vor.u32 v8, v29  }
0xc3: {  	[tilespmem:v37+s24+$0x0] =	vst.idx.msk $0xffff, v36  }
0xc4: {  	v36 =	vld.idx.msk [tilespmem:v38+s4+$0x0], $0xffff;
	v56 =	vor.u32 v8, v22;
	[tilespmem:v50+s24+$0x0] =	vst.idx.msk $0xffff, v39  }
0xc5: {  	v57 =	vor.u32 v9, v23;
	v39 =	vld.idx.msk [tilespmem:v51+s4+$0x0], $0xffff;
	[tilespmem:v52+s24+$0x0] =	vst.idx.msk $0xffff, v42;
	v58 =	vor.u32 v8, v24  }
0xc6: {  	v60 =	vor.u32 v8, v26;
	v42 =	vld.idx.msk [tilespmem:v53+s4+$0x0], $0xffff;
	v59 =	vor.u32 v9, v25;
	[tilespmem:v54+s24+$0x0] =	vst.idx.msk $0xffff, v45  }
0xc7: {  	v61 =	vor.u32 v9, v27;
	v62 =	vor.u32 v8, v28;
	v45 =	vld.idx.msk [tilespmem:v55+s4+$0x0], $0xffff  }
0xc8: {  	v63 =	vor.u32 v9, v29  }
0xc9: {  	[tilespmem:v56+s24+$0x0] =	vst.idx.msk $0xffff, v36  }
0xca: {  	v36 =	vld.idx.msk [tilespmem:v57+s4+$0x0], $0xffff;
	[tilespmem:v58+s24+$0x0] =	vst.idx.msk $0xffff, v39;
	v48 =	vor.u32 v9, v22  }
0xcb: {  	v50 =	vor.u32 v9, v24;
	[tilespmem:v60+s24+$0x0] =	vst.idx.msk $0xffff, v42;
	v39 =	vld.idx.msk [tilespmem:v59+s4+$0x0], $0xffff;
	v49 =	vor.u32 v10, v23  }
0xcc: {  	v51 =	vor.u32 v10, v25;
	v52 =	vor.u32 v9, v26;
	v42 =	vld.idx.msk [tilespmem:v61+s4+$0x0], $0xffff;
	[tilespmem:v62+s24+$0x0] =	vst.idx.msk $0xffff, v45  }
0xcd: {  	v53 =	vor.u32 v10, v27;
	v54 =	vor.u32 v9, v28;
	v45 =	vld.idx.msk [tilespmem:v63+s4+$0x0], $0xffff  }
0xce: {  	v55 =	vor.u32 v10, v29  }
0xcf: {  	[tilespmem:v48+s24+$0x0] =	vst.idx.msk $0xffff, v36  }
0xd0: {  	v56 =	vor.u32 v11, v20;
	v57 =	vor.u32 v10, v22;
	[tilespmem:v50+s24+$0x0] =	vst.idx.msk $0xffff, v39;
	v37 =	vld.idx.msk [tilespmem:v49+s4+$0x0], $0xffff  }
0xd1: {  	v58 =	vor.u32 v11, v23;
	v59 =	vor.u32 v10, v24;
	[tilespmem:v52+s24+$0x0] =	vst.idx.msk $0xffff, v42;
	v40 =	vld.idx.msk [tilespmem:v51+s4+$0x0], $0xffff  }
0xd2: {  	v60 =	vor.u32 v11, v25;
	v61 =	vor.u32 v10, v26;
	v43 =	vld.idx.msk [tilespmem:v53+s4+$0x0], $0xffff;
	[tilespmem:v54+s24+$0x0] =	vst.idx.msk $0xffff, v45  }
0xd3: {  	v62 =	vor.u32 v11, v27;
	v63 =	vor.u32 v10, v28;
	v46 =	vld.idx.msk [tilespmem:v55+s4+$0x0], $0xffff  }
0xd4: {  	[tilespmem:v35+s24+$0x0] =	vst.idx.msk $0xffff, v34;
	v48 =	vor.u32 v11, v29  }
0xd5: {  	v35 =	vld.idx.msk [tilespmem:v56+s4+$0x0], $0xffff;
	v49 =	vor.u32 v11, v19;
	[tilespmem:v57+s24+$0x0] =	vst.idx.msk $0xffff, v37  }
0xd6: {  	v50 =	vor.u32 v12, v20;
	v51 =	vor.u32 v11, v22;
	[tilespmem:v59+s24+$0x0] =	vst.idx.msk $0xffff, v40;
	v38 =	vld.idx.msk [tilespmem:v58+s4+$0x0], $0xffff  }
0xd7: {  	v52 =	vor.u32 v12, v23;
	v53 =	vor.u32 v11, v24;
	[tilespmem:v61+s24+$0x0] =	vst.idx.msk $0xffff, v43;
	v41 =	vld.idx.msk [tilespmem:v60+s4+$0x0], $0xffff  }
0xd8: {  	v44 =	vld.idx.msk [tilespmem:v62+s4+$0x0], $0xffff;
	v54 =	vor.u32 v12, v25;
	v55 =	vor.u32 v11, v26;
	[tilespmem:v63+s24+$0x0] =	vst.idx.msk $0xffff, v46  }
0xd9: {  	[tilespmem:v33+s24+$0x0] =	vst.idx.msk $0xffff, v31;
	v31 =	vor.u32 v12, v27;
	v57 =	vor.u32 v11, v28;
	v56 =	vld.idx.msk [tilespmem:v48+s4+$0x0], $0xffff  }
0xda: {  	v32 =	vld.idx.msk [tilespmem:v32+s4+$0x0], $0xffff;
	[tilespmem:v49+s24+$0x0] =	vst.idx.msk $0xffff, v35;
	v59 =	vor.u32 v12, v29;
	v58 =	vor.u32 v13, v18  }
0xdb: {  	v36 =	vld.idx.msk [tilespmem:v50+s4+$0x0], $0xffff;
	v60 =	vor.u32 v12, v19;
	[tilespmem:v51+s24+$0x0] =	vst.idx.msk $0xffff, v38  }
0xdc: {  	v61 =	vor.u32 v13, v20;
	v62 =	vor.u32 v12, v22;
	[tilespmem:v53+s24+$0x0] =	vst.idx.msk $0xffff, v41;
	v39 =	vld.idx.msk [tilespmem:v52+s4+$0x0], $0xffff  }
0xdd: {  	v42 =	vld.idx.msk [tilespmem:v54+s4+$0x0], $0xffff;
	v63 =	vor.u32 v13, v23;
	[tilespmem:v55+s24+$0x0] =	vst.idx.msk $0xffff, v44;
	v48 =	vor.u32 v12, v24  }
0xde: {  	v49 =	vor.u32 v13, v25;
	v50 =	vor.u32 v12, v26;
	v31 =	vld.idx.msk [tilespmem:v31+s4+$0x0], $0xffff;
	[tilespmem:v57+s24+$0x0] =	vst.idx.msk $0xffff, v56  }
0xdf: {  	[tilespmem:v58+s24+$0x0] =	vst.idx.msk $0xffff, v32;
	v51 =	vor.u32 v13, v27;
	v52 =	vor.u32 v12, v28;
	v33 =	vld.idx.msk [tilespmem:v59+s4+$0x0], $0xffff  }
0xe0: {  	v21 =	vor.u32 v16, v21;
	v30 =	vld.idx.msk [tilespmem:v30+s4+$0x0], $0xffff;
	[tilespmem:v60+s24+$0x0] =	vst.idx.msk $0xffff, v36;
	v53 =	vor.u32 v13, v29  }
0xe1: {  	v37 =	vld.idx.msk [tilespmem:v61+s4+$0x0], $0xffff;
	v54 =	vor.u32 v14, v17;
	[tilespmem:v62+s24+$0x0] =	vst.idx.msk $0xffff, v39;
	v55 =	vor.u32 v13, v19  }
0xe2: {  	v40 =	vld.idx.msk [tilespmem:v63+s4+$0x0], $0xffff;
	v56 =	vor.u32 v14, v20;
	v57 =	vor.u32 v13, v22;
	[tilespmem:v48+s24+$0x0] =	vst.idx.msk $0xffff, v42  }
0xe3: {  	v58 =	vor.u32 v14, v23;
	[tilespmem:v50+s24+$0x0] =	vst.idx.msk $0xffff, v31;
	v43 =	vld.idx.msk [tilespmem:v49+s4+$0x0], $0xffff;
	v59 =	vor.u32 v13, v24  }
0xe4: {  	v60 =	vor.u32 v13, v26;
	v31 =	vor.u32 v14, v25;
	v32 =	vld.idx.msk [tilespmem:v51+s4+$0x0], $0xffff;
	[tilespmem:v52+s24+$0x0] =	vst.idx.msk $0xffff, v33  }
0xe5: {  	[tilespmem:v21+s24+$0x0] =	vst.idx.msk $0xffff, v30;
	v21 =	vor.u32 v14, v27;
	v61 =	vor.u32 v13, v28;
	v30 =	vld.idx.msk [tilespmem:v53+s4+$0x0], $0xffff  }
0xe6: {  	v62 =	vld.idx.msk [tilespmem:v54+s4+$0x0], $0xffff;
	v63 =	vor.u32 v14, v18;
	[tilespmem:v55+s24+$0x0] =	vst.idx.msk $0xffff, v37;
	v48 =	vor.u32 v14, v29  }
0xe7: {  	v50 =	vor.u32 v14, v19;
	v49 =	vor.u32 v15, v17;
	v38 =	vld.idx.msk [tilespmem:v56+s4+$0x0], $0xffff;
	[tilespmem:v57+s24+$0x0] =	vst.idx.msk $0xffff, v40  }
0xe8: {  	v51 =	vor.u32 v15, v20;
	v41 =	vld.idx.msk [tilespmem:v58+s4+$0x0], $0xffff;
	v52 =	vor.u32 v14, v22;
	[tilespmem:v59+s24+$0x0] =	vst.idx.msk $0xffff, v43  }
0xe9: {  	v54 =	vor.u32 v14, v24;
	[tilespmem:v60+s24+$0x0] =	vst.idx.msk $0xffff, v32;
	v53 =	vor.u32 v15, v23;
	v31 =	vld.idx.msk [tilespmem:v31+s4+$0x0], $0xffff  }
0xea: {  	v55 =	vor.u32 v15, v25;
	v56 =	vor.u32 v14, v26;
	v21 =	vld.idx.msk [tilespmem:v21+s4+$0x0], $0xffff;
	[tilespmem:v61+s24+$0x0] =	vst.idx.msk $0xffff, v30  }
0xeb: {  	[tilespmem:v63+s24+$0x0] =	vst.idx.msk $0xffff, v62;
	v57 =	vor.u32 v14, v28;
	v30 =	vor.u32 v15, v27;
	v33 =	vld.idx.msk [tilespmem:v48+s4+$0x0], $0xffff  }
0xec: {  	v35 =	vld.idx.msk [tilespmem:v49+s4+$0x0], $0xffff;
	v58 =	vor.u32 v15, v18;
	v59 =	vor.u32 v15, v29;
	[tilespmem:v50+s24+$0x0] =	vst.idx.msk $0xffff, v38  }
0xed: {  	v17 =	vor.u32 v16, v17;
	v60 =	vor.u32 v15, v19;
	v38 =	vld.idx.msk [tilespmem:v51+s4+$0x0], $0xffff;
	[tilespmem:v52+s24+$0x0] =	vst.idx.msk $0xffff, v41  }
0xee: {  	v20 =	vor.u32 v16, v20;
	v62 =	vor.u32 v15, v22;
	v61 =	vld.idx.msk [tilespmem:v53+s4+$0x0], $0xffff;
	[tilespmem:v54+s24+$0x0] =	vst.idx.msk $0xffff, v31  }
0xef: {  	v63 =	vor.u32 v15, v24;
	v23 =	vor.u32 v16, v23;
	[tilespmem:v56+s24+$0x0] =	vst.idx.msk $0xffff, v21;
	v31 =	vld.idx.msk [tilespmem:v55+s4+$0x0], $0xffff  }
0xf0: {  	v21 =	vor.u32 v16, v25;
	v25 =	vld.idx.msk [tilespmem:v30+s4+$0x0], $0xffff;
	v30 =	vor.u32 v15, v26;
	[tilespmem:v57+s24+$0x0] =	vst.idx.msk $0xffff, v33  }
0xf1: {  	v37 =	vor.u32 v15, v28;
	[tilespmem:v58+s24+$0x0] =	vst.idx.msk $0xffff, v35;
	v27 =	vor.u32 v16, v27;
	v33 =	vld.idx.msk [tilespmem:v59+s4+$0x0], $0xffff  }
0xf2: {  	v18 =	vor.u32 v16, v18;
	v29 =	vor.u32 v16, v29;
	v17 =	vld.idx.msk [tilespmem:v17+s4+$0x0], $0xffff;
	[tilespmem:v60+s24+$0x0] =	vst.idx.msk $0xffff, v38  }
0xf3: {  	v19 =	vor.u32 v16, v19;
	v20 =	vld.idx.msk [tilespmem:v20+s4+$0x0], $0xffff;
	[tilespmem:v62+s24+$0x0] =	vst.idx.msk $0xffff, v61  }
0xf4: {  	v22 =	vor.u32 v16, v22;
	v23 =	vld.idx.msk [tilespmem:v23+s4+$0x0], $0xffff;
	[tilespmem:v63+s24+$0x0] =	vst.idx.msk $0xffff, v31  }
0xf5: {  	v24 =	vor.u32 v16, v24;
	v21 =	vld.idx.msk [tilespmem:v21+s4+$0x0], $0xffff;
	[tilespmem:v30+s24+$0x0] =	vst.idx.msk $0xffff, v25  }
0xf6: {  	v26 =	vor.u32 v16, v26;
	v25 =	vld.idx.msk [tilespmem:v27+s4+$0x0], $0xffff;
	[tilespmem:v37+s24+$0x0] =	vst.idx.msk $0xffff, v33  }
0xf7: {  	[tilespmem:v18+s24+$0x0] =	vst.idx.msk $0xffff, v17;
	v18 =	vor.u32 v16, v28;
	v17 =	vld.idx.msk [tilespmem:v29+s4+$0x0], $0xffff  }
0xf8: {  	[tilespmem:v19+s24+$0x0] =	vst.idx.msk $0xffff, v20  }
0xf9: {  	[tilespmem:v22+s24+$0x0] =	vst.idx.msk $0xffff, v23  }
0xfa: {  	[tilespmem:v24+s24+$0x0] =	vst.idx.msk $0xffff, v21  }
0xfb: {  	[tilespmem:v26+s24+$0x0] =	vst.idx.msk $0xffff, v25  }
0xfc: {  	s2 =	sadd.s32 s3, s2;
	p1 =	seq.s32 s31, $0x2F;
	[tilespmem:v18+s24+$0x0] =	vst.idx.msk $0xffff, v17  }
0xfd: {  	[hbm4b:s2+s4] =	stream.linear.scatter [tilespmem:s24], [sflag:$0x3], $0x4000, $0x38;
	[tilespmem:$0x18800] =	vst v63  }
0xfe: {  	s2 =	sadd.s32 @!p1 s0, s14  }
0xff: {  	s18 =	sshll.u32 @!p1 s2, $0xB  }
0x100: {  	s18 =	sand.u32 @!p1 $0xFFFF000, s18  }
0x101: {  	s8 =	simm.s32 @!p1 $0x0;
	s2 =	sshll.u32 @!p1 s2, $0x7;
	s19 =	sadd.s32 @!p1 s1, s18  }
0x102: {  	[tilespmem:s8], [sflag:$0x1] =	stream.linear.gather @!p1 [hbm4b:s19+s8], $0x4000, $0x38;
	[tilespmem:$0x18800] =	vst v63  }
0x103: {  	s2 =	sand.u32 @!p1 $0x1FFFFF00, s2;
	s18 =	sadd.s32 @!p1 s5, s18;
	s19 =	simm.s32 @!p1 $0x4000  }
0x104: {  	[tilespmem:s19], [sflag:$0x1] =	stream.linear.gather @!p1 [hbm4b:s18+s8], $0x4000, $0x38;
	[tilespmem:$0x18800] =	vst v63  }
0x105: {  	s2 =	sadd.s32 @!p1 s6, s2;
	s18 =	simm.s32 @!p1 $0x18000  }
0x106: {  	[tilespmem:s18], [sflag:$0x1] =	stream.linear.gather @!p1 [hbm4b:s2+s8], $0x400, $0x38;
	[tilespmem:$0x18800] =	vst v63  }
0x107: {  	_ =	swait.ge [sflag:s25], $0x4000  }
0x108: {  	[sflag:s25] =	ssyncset.done $0x0  }
0x109: {  	[sflag:s25] =	ssyncadd.s32 $0xFFFFC000  }
0x10a: {  	_ =	swait.ge [sflag:s25], $0x4000  }
0x10b: {  	[sflag:s25] =	ssyncset.done $0x0  }
0x10c: {  	[sflag:s25] =	ssyncadd.s32 $0xFFFFC000  }
0x10d: {  	_ =	swait.ge [sflag:s25], $0x400  }
0x10e: {  	[sflag:s25] =	ssyncset.done $0x0  }
0x10f: {  	s2 =	simm.s32 @!p0 $0x4;
	[sflag:s25] =	ssyncadd.s32 $0xFFFFFC00  }
0x110: {  	_ =	swait.ge @!p0 [sflag:s2], $0x4000  }
0x111: {  	[sflag:s2] =	ssyncset.done @!p0 $0x0  }
0x112: {  	s18 =	simm.s32 $0x18400;
	[sflag:s2] =	ssyncadd.s32 @!p0 $0xFFFFC000  }
0x113: {  	s19 =	simm.s32 $0x0;
	v17 =	vld [tilespmem:s18+$0x0]  }
0x114: {  	v18 =	vmov s19  }
0x115: {  	v19 =	vshll.u32 v18, $0x7  }
0x116: {  	v19 =	vor.u32 v1, v19  }
0x117: {  	v18 =	vand.u32 $0x380, v18;
	v19 =	vand.u32 $0x3C00, v19  }
0x118: {  	v21 =	vor.u32 v18, v19;
	v17 =	vshll.u32 v17, $0xE  }
0x119: {  	v28 =	vor.u32 v17, v21  }
0x11a: {  	v17 =	vor.u32 v0, v28;
	_ =	sdelay $0x4  }
0x11b: {  	v18 =	vor.u32 v0, v21;
	v17 =	vld.idx.msk [tilespmem:v17+s20+$0x0], $0xffff  }
0x11c: {  	v19 =	vor.u32 v2, v28;
	_ =	sdelay $0x1  }
0x11d: {  	s18 =	simm.s32 $0x18410  }
0x11e: {  	s19 =	simm.s32 $0x10;
	v20 =	vld [tilespmem:s18+$0x0]  }
0x11f: {  	v22 =	vmov s19;
	[tilespmem:v18+s26+$0x0] =	vst.idx.msk $0xffff, v17  }
0x120: {  	v23 =	vor.u32 v2, v21;
	v17 =	vshll.u32 v22, $0x7;
	v19 =	vld.idx.msk [tilespmem:v19+s20+$0x0], $0xffff  }
0x121: {  	v24 =	vor.u32 v3, v28;
	v17 =	vor.u32 v1, v17  }
0x122: {  	v18 =	vand.u32 $0x380, v22;
	v17 =	vand.u32 $0x3C00, v17  }
0x123: {  	v20 =	vshll.u32 v20, $0xE;
	v18 =	vor.u32 v18, v17  }
0x124: {  	v17 =	vor.u32 v20, v18  }
0x125: {  	[tilespmem:v23+s26+$0x0] =	vst.idx.msk $0xffff, v19;
	v19 =	vor.u32 v0, v17  }
0x126: {  	v22 =	vor.u32 v3, v21;
	v20 =	vld.idx.msk [tilespmem:v24+s20+$0x0], $0xffff  }
0x127: {  	v23 =	vor.u32 v4, v28;
	_ =	sdelay $0x2  }
0x128: {  	v24 =	vor.u32 v0, v18;
	v19 =	vld.idx.msk [tilespmem:v19+s20+$0x0], $0xffff  }
0x129: {  	[tilespmem:v22+s26+$0x0] =	vst.idx.msk $0xffff, v20;
	v20 =	vor.u32 v2, v17  }
0x12a: {  	v22 =	vld.idx.msk [tilespmem:v23+s20+$0x0], $0xffff;
	v23 =	vor.u32 v4, v21  }
0x12b: {  	s18 =	simm.s32 $0x18420;
	v25 =	vor.u32 v5, v28  }
0x12c: {  	s19 =	simm.s32 $0x20;
	v26 =	vld [tilespmem:s18+$0x0]  }
0x12d: {  	v27 =	vmov s19;
	[tilespmem:v24+s26+$0x0] =	vst.idx.msk $0xffff, v19  }
0x12e: {  	v29 =	vor.u32 v2, v18;
	v19 =	vshll.u32 v27, $0x7;
	v24 =	vld.idx.msk [tilespmem:v20+s20+$0x0], $0xffff  }
0x12f: {  	v19 =	vor.u32 v1, v19;
	[tilespmem:v23+s26+$0x0] =	vst.idx.msk $0xffff, v22;
	v22 =	vor.u32 v3, v17  }
0x130: {  	v20 =	vand.u32 $0x380, v27;
	v19 =	vand.u32 $0x3C00, v19;
	v23 =	vld.idx.msk [tilespmem:v25+s20+$0x0], $0xffff;
	v25 =	vor.u32 v5, v21  }
0x131: {  	v26 =	vshll.u32 v26, $0xE;
	v27 =	vor.u32 v6, v28;
	v19 =	vor.u32 v20, v19  }
0x132: {  	v20 =	vor.u32 v26, v19  }
0x133: {  	[tilespmem:v29+s26+$0x0] =	vst.idx.msk $0xffff, v24;
	v24 =	vor.u32 v0, v20  }
0x134: {  	v26 =	vor.u32 v3, v18;
	v22 =	vld.idx.msk [tilespmem:v22+s20+$0x0], $0xffff  }
0x135: {  	[tilespmem:v25+s26+$0x0] =	vst.idx.msk $0xffff, v23;
	v23 =	vor.u32 v4, v17  }
0x136: {  	v25 =	vld.idx.msk [tilespmem:v27+s20+$0x0], $0xffff;
	v27 =	vor.u32 v6, v21  }
0x137: {  	v29 =	vor.u32 v7, v28  }
0x138: {  	v30 =	vor.u32 v0, v19;
	v24 =	vld.idx.msk [tilespmem:v24+s20+$0x0], $0xffff  }
0x139: {  	[tilespmem:v26+s26+$0x0] =	vst.idx.msk $0xffff, v22;
	v22 =	vor.u32 v2, v20  }
0x13a: {  	v26 =	vor.u32 v4, v18;
	v23 =	vld.idx.msk [tilespmem:v23+s20+$0x0], $0xffff  }
0x13b: {  	[tilespmem:v27+s26+$0x0] =	vst.idx.msk $0xffff, v25;
	v25 =	vor.u32 v5, v17  }
0x13c: {  	s18 =	simm.s32 $0x18430;
	v27 =	vld.idx.msk [tilespmem:v29+s20+$0x0], $0xffff;
	v29 =	vor.u32 v7, v21  }
0x13d: {  	s19 =	simm.s32 $0x30;
	v31 =	vld [tilespmem:s18+$0x0];
	[tilespmem:v30+s26+$0x0] =	vst.idx.msk $0xffff, v24;
	v24 =	vor.u32 v8, v28  }
0x13e: {  	v41 =	vor.u32 v2, v19;
	v30 =	vmov s19;
	v40 =	vld.idx.msk [tilespmem:v22+s20+$0x0], $0xffff  }
0x13f: {  	v22 =	vshll.u32 v30, $0x7;
	[tilespmem:v26+s26+$0x0] =	vst.idx.msk $0xffff, v23;
	v26 =	vor.u32 v3, v20  }
0x140: {  	v42 =	vor.u32 v5, v18;
	v22 =	vor.u32 v1, v22;
	v25 =	vld.idx.msk [tilespmem:v25+s20+$0x0], $0xffff  }
0x141: {  	v23 =	vand.u32 $0x380, v30;
	v22 =	vand.u32 $0x3C00, v22;
	[tilespmem:v29+s26+$0x0] =	vst.idx.msk $0xffff, v27;
	v27 =	vor.u32 v6, v17  }
0x142: {  	v30 =	vor.u32 v8, v21;
	v29 =	vshll.u32 v31, $0xE;
	v22 =	vor.u32 v23, v22;
	v24 =	vld.idx.msk [tilespmem:v24+s20+$0x0], $0xffff  }
0x143: {  	v23 =	vor.u32 v29, v22;
	v29 =	vor.u32 v9, v28;
	[tilespmem:v41+s26+$0x0] =	vst.idx.msk $0xffff, v40  }
0x144: {  	v43 =	vor.u32 v3, v19;
	v31 =	vor.u32 v0, v23;
	v26 =	vld.idx.msk [tilespmem:v26+s20+$0x0], $0xffff  }
0x145: {  	[tilespmem:v42+s26+$0x0] =	vst.idx.msk $0xffff, v25;
	v25 =	vor.u32 v4, v20  }
0x146: {  	v44 =	vor.u32 v6, v18;
	v27 =	vld.idx.msk [tilespmem:v27+s20+$0x0], $0xffff  }
0x147: {  	[tilespmem:v30+s26+$0x0] =	vst.idx.msk $0xffff, v24;
	v24 =	vor.u32 v7, v17  }
0x148: {  	v30 =	vor.u32 v9, v21;
	v29 =	vld.idx.msk [tilespmem:v29+s20+$0x0], $0xffff  }
0x149: {  	v45 =	vor.u32 v0, v22;
	v31 =	vld.idx.msk [tilespmem:v31+s20+$0x0], $0xffff;
	[tilespmem:v43+s26+$0x0] =	vst.idx.msk $0xffff, v26;
	v26 =	vor.u32 v10, v28  }
0x14a: {  	v47 =	vor.u32 v4, v19;
	v46 =	vor.u32 v2, v23;
	v25 =	vld.idx.msk [tilespmem:v25+s20+$0x0], $0xffff  }
0x14b: {  	[tilespmem:v44+s26+$0x0] =	vst.idx.msk $0xffff, v27;
	v27 =	vor.u32 v5, v20  }
0x14c: {  	v48 =	vor.u32 v7, v18;
	s19 =	simm.s32 $0x18440;
	v24 =	vld.idx.msk [tilespmem:v24+s20+$0x0], $0xffff  }
0x14d: {  	s18 =	simm.s32 $0x40;
	v49 =	vld [tilespmem:s19+$0x0];
	[tilespmem:v30+s26+$0x0] =	vst.idx.msk $0xffff, v29;
	v29 =	vor.u32 v8, v17  }
0x14e: {  	v50 =	vmov s18;
	v52 =	vor.u32 v11, v28;
	[tilespmem:v45+s26+$0x0] =	vst.idx.msk $0xffff, v31;
	v31 =	vor.u32 v10, v21;
	v26 =	vld.idx.msk [tilespmem:v26+s20+$0x0], $0xffff  }
0x14f: {  	v51 =	vor.u32 v2, v22;
	v30 =	vshll.u32 v50, $0x7;
	v32 =	vld.idx.msk [tilespmem:v46+s20+$0x0], $0xffff;
	[tilespmem:v47+s26+$0x0] =	vst.idx.msk $0xffff, v25  }
0x150: {  	v53 =	vor.u32 v5, v19;
	v25 =	vor.u32 v1, v30;
	v30 =	vor.u32 v3, v23;
	v27 =	vld.idx.msk [tilespmem:v27+s20+$0x0], $0xffff  }
0x151: {  	v37 =	vand.u32 $0x380, v50;
	v54 =	vor.u32 v6, v20;
	[tilespmem:v48+s26+$0x0] =	vst.idx.msk $0xffff, v24;
	v24 =	vand.u32 $0x3C00, v25  }
0x152: {  	v55 =	vor.u32 v8, v18;
	v25 =	vshll.u32 v49, $0xE;
	v29 =	vld.idx.msk [tilespmem:v29+s20+$0x0], $0xffff;
	v24 =	vor.u32 v37, v24  }
0x153: {  	[tilespmem:v31+s26+$0x0] =	vst.idx.msk $0xffff, v26;
	v25 =	vor.u32 v25, v24;
	v26 =	vor.u32 v9, v17  }
0x154: {  	v57 =	vor.u32 v11, v21;
	[tilespmem:v51+s26+$0x0] =	vst.idx.msk $0xffff, v32;
	v31 =	vld.idx.msk [tilespmem:v52+s20+$0x0], $0xffff;
	v56 =	vor.u32 v0, v25  }
0x155: {  	v58 =	vor.u32 v3, v22;
	v30 =	vld.idx.msk [tilespmem:v30+s20+$0x0], $0xffff;
	[tilespmem:v53+s26+$0x0] =	vst.idx.msk $0xffff, v27;
	v27 =	vor.u32 v12, v28  }
0x156: {  	v60 =	vor.u32 v6, v19;
	s19 =	simm.s32 $0x18450;
	v59 =	vor.u32 v4, v23;
	v33 =	vld.idx.msk [tilespmem:v54+s20+$0x0], $0xffff  }
0x157: {  	v48 =	vld [tilespmem:s19+$0x0];
	[tilespmem:v55+s26+$0x0] =	vst.idx.msk $0xffff, v29;
	v29 =	vor.u32 v7, v20  }
0x158: {  	v63 =	vor.u32 v12, v21;
	v61 =	vor.u32 v9, v18;
	v26 =	vld.idx.msk [tilespmem:v26+s20+$0x0], $0xffff  }
0x159: {  	v62 =	vor.u32 v10, v17;
	v32 =	vld.idx.msk [tilespmem:v56+s20+$0x0], $0xffff;
	[tilespmem:v57+s26+$0x0] =	vst.idx.msk $0xffff, v31;
	v31 =	vor.u32 v0, v24  }
0x15a: {  	v45 =	vor.u32 v4, v22;
	[tilespmem:v58+s26+$0x0] =	vst.idx.msk $0xffff, v30;
	v30 =	vor.u32 v2, v25;
	v27 =	vld.idx.msk [tilespmem:v27+s20+$0x0], $0xffff  }
0x15b: {  	v50 =	vor.u32 v7, v19;
	v46 =	vor.u32 v13, v28;
	v37 =	vld.idx.msk [tilespmem:v59+s20+$0x0], $0xffff;
	[tilespmem:v60+s26+$0x0] =	vst.idx.msk $0xffff, v33  }
0x15c: {  	s18 =	simm.s32 $0x50;
	v47 =	vor.u32 v5, v23;
	v53 =	vor.u32 v10, v18;
	v54 =	vor.u32 v2, v24;
	v29 =	vld.idx.msk [tilespmem:v29+s20+$0x0], $0xffff  }
0x15d: {  	v49 =	vmov s18;
	v55 =	vor.u32 v11, v17;
	v56 =	vor.u32 v3, v25;
	[tilespmem:v61+s26+$0x0] =	vst.idx.msk $0xffff, v26  }
0x15e: {  	v51 =	vand.u32 $0x380, v49;
	v26 =	vshll.u32 v49, $0x7;
	[tilespmem:v31+s26+$0x0] =	vst.idx.msk $0xffff, v32;
	v31 =	vor.u32 v8, v20;
	v52 =	vld.idx.msk [tilespmem:v62+s20+$0x0], $0xffff  }
0x15f: {  	v57 =	vor.u32 v13, v21;
	v26 =	vor.u32 v1, v26;
	v30 =	vld.idx.msk [tilespmem:v30+s20+$0x0], $0xffff;
	[tilespmem:v63+s26+$0x0] =	vst.idx.msk $0xffff, v27  }
0x160: {  	v58 =	vor.u32 v5, v22;
	[tilespmem:v45+s26+$0x0] =	vst.idx.msk $0xffff, v37;
	v26 =	vand.u32 $0x3C00, v26;
	v27 =	vshll.u32 v48, $0xE;
	v33 =	vld.idx.msk [tilespmem:v46+s20+$0x0], $0xffff  }
0x161: {  	v38 =	vld.idx.msk [tilespmem:v47+s20+$0x0], $0xffff;
	v26 =	vor.u32 v51, v26;
	[tilespmem:v50+s26+$0x0] =	vst.idx.msk $0xffff, v29;
	v29 =	vor.u32 v14, v28  }
0x162: {  	v59 =	vor.u32 v6, v23;
	v27 =	vor.u32 v27, v26  }
0x163: {  	v60 =	vor.u32 v8, v19;
	v62 =	vor.u32 v0, v27;
	v31 =	vld.idx.msk [tilespmem:v31+s20+$0x0], $0xffff;
	[tilespmem:v53+s26+$0x0] =	vst.idx.msk $0xffff, v52  }
0x164: {  	v61 =	vor.u32 v9, v20;
	v63 =	vor.u32 v11, v18;
	[tilespmem:v54+s26+$0x0] =	vst.idx.msk $0xffff, v30;
	v30 =	vld.idx.msk [tilespmem:v55+s20+$0x0], $0xffff  }
0x165: {  	v49 =	vor.u32 v3, v24;
	v50 =	vor.u32 v12, v17;
	v48 =	vld.idx.msk [tilespmem:v56+s20+$0x0], $0xffff;
	[tilespmem:v57+s26+$0x0] =	vst.idx.msk $0xffff, v33  }
0x166: {  	v51 =	vor.u32 v4, v25;
	v52 =	vor.u32 v14, v21;
	[tilespmem:v58+s26+$0x0] =	vst.idx.msk $0xffff, v38;
	v29 =	vld.idx.msk [tilespmem:v29+s20+$0x0], $0xffff  }
0x167: {  	v54 =	vor.u32 v6, v22;
	v53 =	vld.idx.msk [tilespmem:v59+s20+$0x0], $0xffff  }
0x168: {  	v55 =	vor.u32 v7, v23;
	v34 =	vld.idx.msk [tilespmem:v62+s20+$0x0], $0xffff;
	[tilespmem:v60+s26+$0x0] =	vst.idx.msk $0xffff, v31  }
0x169: {  	v58 =	vor.u32 v0, v26;
	v31 =	vor.u32 v15, v28;
	v56 =	vld.idx.msk [tilespmem:v61+s20+$0x0], $0xffff;
	[tilespmem:v63+s26+$0x0] =	vst.idx.msk $0xffff, v30  }
0x16a: {  	v57 =	vor.u32 v9, v19;
	v61 =	vor.u32 v2, v27;
	[tilespmem:v49+s26+$0x0] =	vst.idx.msk $0xffff, v48;
	v60 =	vld.idx.msk [tilespmem:v50+s20+$0x0], $0xffff  }
0x16b: {  	s18 =	simm.s32 $0x18460;
	v59 =	vor.u32 v10, v20;
	v48 =	vor.u32 v12, v18;
	v39 =	vld.idx.msk [tilespmem:v51+s20+$0x0], $0xffff;
	[tilespmem:v52+s26+$0x0] =	vst.idx.msk $0xffff, v29  }
0x16c: {  	v35 =	vor.u32 v10, v19;
	v40 =	vor.u32 v4, v24;
	[tilespmem:v54+s26+$0x0] =	vst.idx.msk $0xffff, v53;
	v29 =	vld [tilespmem:s18+$0x0]  }
0x16d: {  	s8 =	simm.s32 $0x60;
	v41 =	vor.u32 v5, v25;
	v32 =	vor.u32 v13, v17;
	v37 =	vor.u32 v7, v22;
	v36 =	vld.idx.msk [tilespmem:v55+s20+$0x0], $0xffff  }
0x16e: {  	v33 =	vor.u32 v15, v21;
	v38 =	vor.u32 v8, v23;
	v62 =	vmov s8;
	[tilespmem:v58+s26+$0x0] =	vst.idx.msk $0xffff, v34;
	v31 =	vld.idx.msk [tilespmem:v31+s20+$0x0], $0xffff  }
0x16f: {  	s19 =	sadd.s32 s0, s15;
	v30 =	vor.u32 v16, v28;
	v63 =	vshll.u32 v62, $0x7;
	[tilespmem:v57+s26+$0x0] =	vst.idx.msk $0xffff, v56;
	v42 =	vld.idx.msk [tilespmem:v61+s20+$0x0], $0xffff  }
0x170: {  	s2 =	sshll.u32 s19, $0xB;
	s19 =	simm.s32 $0x70;
	v28 =	vand.u32 $0x380, v62;
	v43 =	vor.u32 v1, v63;
	v34 =	vld.idx.msk [tilespmem:v59+s20+$0x0], $0xffff;
	[tilespmem:v48+s26+$0x0] =	vst.idx.msk $0xffff, v60  }
.LBB2_5:
0x171: {  	v44 =	vor.u32 v2, v26;
	[tilespmem:v40+s26+$0x0] =	vst.idx.msk $0xffff, v39  }
0x172: {  	p0 =	sne.s32 s19, $0x3F0;
	v39 =	vor.u32 v11, v20;
	v32 =	vld.idx.msk [tilespmem:v32+s20+$0x0], $0xffff;
	v45 =	vmovc v20;
	v20 =	vmovc v23;
	v23 =	vmov v25;
	v25 =	vmov v27  }
0x173: {  	v46 =	vor.u32 v13, v18;
	v40 =	vor.u32 v3, v25;
	v41 =	vld.idx.msk [tilespmem:v41+s20+$0x0], $0xffff;
	[tilespmem:v33+s26+$0x0] =	vst.idx.msk $0xffff, v31  }
0x174: {  	v31 =	vor.u32 v5, v24;
	v33 =	vor.u32 v14, v17;
	[tilespmem:v37+s26+$0x0] =	vst.idx.msk $0xffff, v36;
	v30 =	vld.idx.msk [tilespmem:v30+s20+$0x0], $0xffff  }
0x175: {  	v27 =	vand.u32 $0x3C00, v43;
	v36 =	vor.u32 v6, v23;
	v37 =	vld.idx.msk [tilespmem:v38+s20+$0x0], $0xffff;
	v38 =	vor.u32 v16, v21;
	v21 =	vmovc v18  }
0x176: {  	v28 =	vor.u32 v28, v27;
	v18 =	vshll.u32 v29, $0xE;
	v29 =	vor.u32 v8, v22;
	[tilespmem:v35+s26+$0x0] =	vst.idx.msk $0xffff, v34  }
0x177: {  	v27 =	vor.u32 v18, v28;
	v34 =	vor.u32 v9, v20;
	[tilespmem:v44+s26+$0x0] =	vst.idx.msk $0xffff, v42;
	v35 =	vld.idx.msk [tilespmem:v39+s20+$0x0], $0xffff  }
0x178: {  	v39 =	vor.u32 v0, v27;
	v42 =	vor.u32 v11, v19;
	v40 =	vld.idx.msk [tilespmem:v40+s20+$0x0], $0xffff;
	[tilespmem:v46+s26+$0x0] =	vst.idx.msk $0xffff, v32  }
0x179: {  	v32 =	vor.u32 v3, v26;
	[tilespmem:v31+s26+$0x0] =	vst.idx.msk $0xffff, v41;
	v31 =	vor.u32 v12, v45;
	v33 =	vld.idx.msk [tilespmem:v33+s20+$0x0], $0xffff  }
0x17a: {  	v43 =	vor.u32 v14, v21;
	v41 =	vor.u32 v4, v25;
	v36 =	vld.idx.msk [tilespmem:v36+s20+$0x0], $0xffff;
	[tilespmem:v38+s26+$0x0] =	vst.idx.msk $0xffff, v30  }
0x17b: {  	v18 =	vmov v19;
	v30 =	vor.u32 v6, v24;
	[tilespmem:v29+s26+$0x0] =	vst.idx.msk $0xffff, v37;
	v29 =	vor.u32 v15, v17  }
0x17c: {  	v19 =	vmovc v22;
	v22 =	vmovc v24;
	v24 =	vmov v26;
	v26 =	vmov v28;
	v37 =	vor.u32 v7, v23;
	v34 =	vld.idx.msk [tilespmem:v34+s20+$0x0], $0xffff  }
0x17d: {  	v28 =	vor.u32 v9, v19;
	v38 =	vld.idx.msk [tilespmem:v39+s20+$0x0], $0xffff;
	[tilespmem:v42+s26+$0x0] =	vst.idx.msk $0xffff, v35  }
0x17e: {  	v35 =	vor.u32 v0, v26;
	v42 =	vor.u32 v10, v20;
	[tilespmem:v32+s26+$0x0] =	vst.idx.msk $0xffff, v40;
	v44 =	vld.idx.msk [tilespmem:v31+s20+$0x0], $0xffff  }
0x17f: {  	v46 =	vor.u32 v2, v27;
	v47 =	vor.u32 v12, v18;
	v39 =	vld.idx.msk [tilespmem:v41+s20+$0x0], $0xffff;
	[tilespmem:v43+s26+$0x0] =	vst.idx.msk $0xffff, v33  }
.Ltmp3:
0x180: {  	v40 =	vor.u32 v4, v24;
	v32 =	vor.u32 v13, v45;
	[tilespmem:v30+s26+$0x0] =	vst.idx.msk $0xffff, v36;
	v31 =	vld.idx.msk [tilespmem:v29+s20+$0x0], $0xffff;
	(pc) =	sbr.rel @p0 .LBB2_5-.Ltmp3, $4  }
0x181: {  	s18 =	sadd.s32 $0x10, s18;
	v41 =	vor.u32 v5, v25;
	v33 =	vor.u32 v15, v21;
	v36 =	vld.idx.msk [tilespmem:v37+s20+$0x0], $0xffff  }
0x182: {  	v43 =	vmov s19;
	v30 =	vor.u32 v16, v17;
	v17 =	vmovc v45;
	v37 =	vor.u32 v7, v22;
	v29 =	vld [tilespmem:s18+$0x0];
	[tilespmem:v28+s26+$0x0] =	vst.idx.msk $0xffff, v34  }
0x183: {  	v45 =	vshll.u32 v43, $0x7;
	v28 =	vand.u32 $0x380, v43;
	[tilespmem:v35+s26+$0x0] =	vst.idx.msk $0xffff, v38;
	v38 =	vor.u32 v8, v23;
	v34 =	vld.idx.msk [tilespmem:v42+s20+$0x0], $0xffff  }
0x184: {  	s19 =	sadd.s32 $0x10, s19;
	v43 =	vor.u32 v1, v45;
	v35 =	vor.u32 v10, v19;
	v42 =	vld.idx.msk [tilespmem:v46+s20+$0x0], $0xffff;
	[tilespmem:v47+s26+$0x0] =	vst.idx.msk $0xffff, v44  }
0x185: {  	_ = 	snop  }
0x186: {  	v43 =	vand.u32 $0x3C00, v43  }
0x187: {  	v28 =	vor.u32 v28, v43;
	v29 =	vshll.u32 v29, $0xE  }
0x188: {  	v29 =	vor.u32 v29, v28  }
0x189: {  	v61 =	vor.u32 v0, v29;
	_ =	sdelay $0x4  }
0x18a: {  	v44 =	vor.u32 v0, v28;
	v43 =	vld.idx.msk [tilespmem:v61+s20+$0x0], $0xffff  }
0x18b: {  	v45 =	vor.u32 v2, v29;
	_ =	sdelay $0x3  }
0x18c: {  	v46 =	vor.u32 v2, v26;
	[tilespmem:v44+s26+$0x0] =	vst.idx.msk $0xffff, v43  }
0x18d: {  	v62 =	vor.u32 v3, v27;
	v63 =	vor.u32 v2, v28;
	v44 =	vld.idx.msk [tilespmem:v45+s20+$0x0], $0xffff  }
0x18e: {  	v47 =	vor.u32 v3, v29;
	_ =	sdelay $0x2  }
0x18f: {  	[tilespmem:v46+s26+$0x0] =	vst.idx.msk $0xffff, v42  }
0x190: {  	v48 =	vor.u32 v3, v26;
	v42 =	vld.idx.msk [tilespmem:v62+s20+$0x0], $0xffff;
	[tilespmem:v63+s26+$0x0] =	vst.idx.msk $0xffff, v44  }
0x191: {  	v49 =	vor.u32 v4, v27;
	v50 =	vor.u32 v3, v28;
	v45 =	vld.idx.msk [tilespmem:v47+s20+$0x0], $0xffff  }
0x192: {  	v51 =	vor.u32 v4, v29;
	_ =	sdelay $0x2  }
0x193: {  	[tilespmem:v48+s26+$0x0] =	vst.idx.msk $0xffff, v42  }
0x194: {  	v52 =	vor.u32 v4, v26;
	v42 =	vld.idx.msk [tilespmem:v49+s20+$0x0], $0xffff;
	[tilespmem:v50+s26+$0x0] =	vst.idx.msk $0xffff, v45  }
0x195: {  	v53 =	vor.u32 v5, v27;
	v54 =	vor.u32 v4, v28;
	v45 =	vld.idx.msk [tilespmem:v51+s20+$0x0], $0xffff  }
0x196: {  	v55 =	vor.u32 v5, v29;
	_ =	sdelay $0x1  }
0x197: {  	[tilespmem:v40+s26+$0x0] =	vst.idx.msk $0xffff, v39  }
0x198: {  	v56 =	vor.u32 v5, v24;
	v39 =	vld.idx.msk [tilespmem:v41+s20+$0x0], $0xffff;
	[tilespmem:v52+s26+$0x0] =	vst.idx.msk $0xffff, v42  }
0x199: {  	v57 =	vor.u32 v6, v25;
	v58 =	vor.u32 v5, v26;
	v42 =	vld.idx.msk [tilespmem:v53+s20+$0x0], $0xffff;
	[tilespmem:v54+s26+$0x0] =	vst.idx.msk $0xffff, v45  }
0x19a: {  	v59 =	vor.u32 v6, v27;
	v60 =	vor.u32 v5, v28;
	v45 =	vld.idx.msk [tilespmem:v55+s20+$0x0], $0xffff  }
0x19b: {  	v61 =	vor.u32 v6, v29;
	_ =	sdelay $0x1  }
0x19c: {  	[tilespmem:v56+s26+$0x0] =	vst.idx.msk $0xffff, v39  }
0x19d: {  	v62 =	vor.u32 v6, v24;
	v39 =	vld.idx.msk [tilespmem:v57+s20+$0x0], $0xffff;
	[tilespmem:v58+s26+$0x0] =	vst.idx.msk $0xffff, v42  }
0x19e: {  	v48 =	vor.u32 v6, v26;
	v63 =	vor.u32 v7, v25;
	v42 =	vld.idx.msk [tilespmem:v59+s20+$0x0], $0xffff;
	[tilespmem:v60+s26+$0x0] =	vst.idx.msk $0xffff, v45  }
0x19f: {  	v49 =	vor.u32 v7, v27;
	v50 =	vor.u32 v6, v28;
	v45 =	vld.idx.msk [tilespmem:v61+s20+$0x0], $0xffff  }
0x1a0: {  	v51 =	vor.u32 v7, v29;
	_ =	sdelay $0x1  }
0x1a1: {  	[tilespmem:v62+s26+$0x0] =	vst.idx.msk $0xffff, v39  }
0x1a2: {  	v52 =	vor.u32 v7, v24;
	v39 =	vld.idx.msk [tilespmem:v63+s20+$0x0], $0xffff;
	[tilespmem:v48+s26+$0x0] =	vst.idx.msk $0xffff, v42  }
0x1a3: {  	v53 =	vor.u32 v8, v25;
	v42 =	vld.idx.msk [tilespmem:v49+s20+$0x0], $0xffff;
	v54 =	vor.u32 v7, v26;
	[tilespmem:v50+s26+$0x0] =	vst.idx.msk $0xffff, v45  }
0x1a4: {  	v56 =	vor.u32 v7, v28;
	v55 =	vor.u32 v8, v27;
	v45 =	vld.idx.msk [tilespmem:v51+s20+$0x0], $0xffff  }
0x1a5: {  	[tilespmem:v37+s26+$0x0] =	vst.idx.msk $0xffff, v36;
	v57 =	vor.u32 v8, v29  }
0x1a6: {  	v36 =	vld.idx.msk [tilespmem:v38+s20+$0x0], $0xffff;
	v58 =	vor.u32 v8, v22  }
0x1a7: {  	v59 =	vor.u32 v9, v23;
	[tilespmem:v52+s26+$0x0] =	vst.idx.msk $0xffff, v39  }
0x1a8: {  	v39 =	vld.idx.msk [tilespmem:v53+s20+$0x0], $0xffff;
	[tilespmem:v54+s26+$0x0] =	vst.idx.msk $0xffff, v42;
	v60 =	vor.u32 v8, v24  }
0x1a9: {  	v62 =	vor.u32 v8, v26;
	v42 =	vld.idx.msk [tilespmem:v55+s20+$0x0], $0xffff;
	v61 =	vor.u32 v9, v25;
	[tilespmem:v56+s26+$0x0] =	vst.idx.msk $0xffff, v45  }
0x1aa: {  	v63 =	vor.u32 v9, v27;
	v48 =	vor.u32 v8, v28;
	v45 =	vld.idx.msk [tilespmem:v57+s20+$0x0], $0xffff  }
0x1ab: {  	[tilespmem:v58+s26+$0x0] =	vst.idx.msk $0xffff, v36;
	v49 =	vor.u32 v9, v29  }
0x1ac: {  	v36 =	vld.idx.msk [tilespmem:v59+s20+$0x0], $0xffff;
	v50 =	vor.u32 v9, v22  }
0x1ad: {  	[tilespmem:v60+s26+$0x0] =	vst.idx.msk $0xffff, v39;
	v51 =	vor.u32 v10, v23  }
0x1ae: {  	v52 =	vor.u32 v9, v24;
	[tilespmem:v62+s26+$0x0] =	vst.idx.msk $0xffff, v42;
	v39 =	vld.idx.msk [tilespmem:v61+s20+$0x0], $0xffff  }
0x1af: {  	v53 =	vor.u32 v10, v25;
	v54 =	vor.u32 v9, v26;
	v42 =	vld.idx.msk [tilespmem:v63+s20+$0x0], $0xffff;
	[tilespmem:v48+s26+$0x0] =	vst.idx.msk $0xffff, v45  }
0x1b0: {  	v55 =	vor.u32 v10, v27;
	v56 =	vor.u32 v9, v28;
	v45 =	vld.idx.msk [tilespmem:v49+s20+$0x0], $0xffff  }
0x1b1: {  	[tilespmem:v50+s26+$0x0] =	vst.idx.msk $0xffff, v36;
	v57 =	vor.u32 v10, v29  }
0x1b2: {  	v59 =	vor.u32 v10, v22;
	v37 =	vld.idx.msk [tilespmem:v51+s20+$0x0], $0xffff  }
0x1b3: {  	v60 =	vor.u32 v11, v23;
	[tilespmem:v52+s26+$0x0] =	vst.idx.msk $0xffff, v39  }
0x1b4: {  	v58 =	vor.u32 v11, v20;
	v61 =	vor.u32 v10, v24;
	[tilespmem:v54+s26+$0x0] =	vst.idx.msk $0xffff, v42;
	v40 =	vld.idx.msk [tilespmem:v53+s20+$0x0], $0xffff  }
0x1b5: {  	v62 =	vor.u32 v11, v25;
	v63 =	vor.u32 v10, v26;
	v43 =	vld.idx.msk [tilespmem:v55+s20+$0x0], $0xffff;
	[tilespmem:v56+s26+$0x0] =	vst.idx.msk $0xffff, v45  }
0x1b6: {  	v48 =	vor.u32 v11, v27;
	v49 =	vor.u32 v10, v28;
	v46 =	vld.idx.msk [tilespmem:v57+s20+$0x0], $0xffff  }
0x1b7: {  	v50 =	vor.u32 v11, v29;
	[tilespmem:v59+s26+$0x0] =	vst.idx.msk $0xffff, v37  }
0x1b8: {  	[tilespmem:v35+s26+$0x0] =	vst.idx.msk $0xffff, v34;
	v53 =	vor.u32 v11, v22;
	v38 =	vld.idx.msk [tilespmem:v60+s20+$0x0], $0xffff  }
0x1b9: {  	v35 =	vld.idx.msk [tilespmem:v58+s20+$0x0], $0xffff;
	v54 =	vor.u32 v12, v23;
	v51 =	vor.u32 v11, v19;
	[tilespmem:v61+s26+$0x0] =	vst.idx.msk $0xffff, v40  }
0x1ba: {  	v52 =	vor.u32 v12, v20;
	v55 =	vor.u32 v11, v24;
	[tilespmem:v63+s26+$0x0] =	vst.idx.msk $0xffff, v43;
	v41 =	vld.idx.msk [tilespmem:v62+s20+$0x0], $0xffff  }
0x1bb: {  	v44 =	vld.idx.msk [tilespmem:v48+s20+$0x0], $0xffff;
	v56 =	vor.u32 v12, v25;
	v57 =	vor.u32 v11, v26;
	[tilespmem:v49+s26+$0x0] =	vst.idx.msk $0xffff, v46  }
0x1bc: {  	[tilespmem:v33+s26+$0x0] =	vst.idx.msk $0xffff, v31;
	v58 =	vor.u32 v12, v27;
	v60 =	vor.u32 v11, v28;
	v59 =	vld.idx.msk [tilespmem:v50+s20+$0x0], $0xffff  }
0x1bd: {  	v32 =	vld.idx.msk [tilespmem:v32+s20+$0x0], $0xffff;
	v61 =	vor.u32 v13, v18;
	v62 =	vor.u32 v12, v29;
	[tilespmem:v53+s26+$0x0] =	vst.idx.msk $0xffff, v38  }
0x1be: {  	[tilespmem:v51+s26+$0x0] =	vst.idx.msk $0xffff, v35;
	v40 =	vld.idx.msk [tilespmem:v54+s20+$0x0], $0xffff;
	v49 =	vor.u32 v12, v22  }
0x1bf: {  	v63 =	vor.u32 v12, v19;
	v37 =	vld.idx.msk [tilespmem:v52+s20+$0x0], $0xffff;
	[tilespmem:v55+s26+$0x0] =	vst.idx.msk $0xffff, v41;
	v50 =	vor.u32 v13, v23  }
0x1c0: {  	v51 =	vor.u32 v12, v24;
	v48 =	vor.u32 v13, v20;
	v43 =	vld.idx.msk [tilespmem:v56+s20+$0x0], $0xffff;
	[tilespmem:v57+s26+$0x0] =	vst.idx.msk $0xffff, v44  }
0x1c1: {  	v52 =	vor.u32 v13, v25;
	v53 =	vor.u32 v12, v26;
	v31 =	vld.idx.msk [tilespmem:v58+s20+$0x0], $0xffff;
	[tilespmem:v60+s26+$0x0] =	vst.idx.msk $0xffff, v59  }
0x1c2: {  	[tilespmem:v61+s26+$0x0] =	vst.idx.msk $0xffff, v32;
	v55 =	vor.u32 v12, v28;
	v54 =	vor.u32 v13, v27;
	v34 =	vld.idx.msk [tilespmem:v62+s20+$0x0], $0xffff  }
0x1c3: {  	v21 =	vor.u32 v16, v21;
	v30 =	vld.idx.msk [tilespmem:v30+s20+$0x0], $0xffff;
	v56 =	vor.u32 v13, v29;
	[tilespmem:v49+s26+$0x0] =	vst.idx.msk $0xffff, v40  }
0x1c4: {  	[tilespmem:v63+s26+$0x0] =	vst.idx.msk $0xffff, v37;
	v57 =	vor.u32 v14, v17;
	v41 =	vld.idx.msk [tilespmem:v50+s20+$0x0], $0xffff;
	v60 =	vor.u32 v13, v22  }
0x1c5: {  	v61 =	vor.u32 v14, v23;
	v38 =	vld.idx.msk [tilespmem:v48+s20+$0x0], $0xffff;
	v58 =	vor.u32 v13, v19;
	[tilespmem:v51+s26+$0x0] =	vst.idx.msk $0xffff, v43  }
0x1c6: {  	v44 =	vld.idx.msk [tilespmem:v52+s20+$0x0], $0xffff;
	v59 =	vor.u32 v14, v20;
	[tilespmem:v53+s26+$0x0] =	vst.idx.msk $0xffff, v31;
	v62 =	vor.u32 v13, v24  }
0x1c7: {  	v63 =	vor.u32 v14, v25;
	v48 =	vor.u32 v13, v26;
	v32 =	vld.idx.msk [tilespmem:v54+s20+$0x0], $0xffff;
	[tilespmem:v55+s26+$0x0] =	vst.idx.msk $0xffff, v34  }
0x1c8: {  	[tilespmem:v21+s26+$0x0] =	vst.idx.msk $0xffff, v30;
	v51 =	vor.u32 v13, v28;
	v49 =	vor.u32 v14, v27;
	v50 =	vld.idx.msk [tilespmem:v56+s20+$0x0], $0xffff  }
0x1c9: {  	v52 =	vld.idx.msk [tilespmem:v57+s20+$0x0], $0xffff;
	v53 =	vor.u32 v14, v18;
	v54 =	vor.u32 v14, v29;
	[tilespmem:v60+s26+$0x0] =	vst.idx.msk $0xffff, v41  }
0x1ca: {  	[tilespmem:v58+s26+$0x0] =	vst.idx.msk $0xffff, v38;
	v58 =	vor.u32 v14, v22;
	v55 =	vor.u32 v15, v17;
	v42 =	vld.idx.msk [tilespmem:v61+s20+$0x0], $0xffff  }
0x1cb: {  	v39 =	vld.idx.msk [tilespmem:v59+s20+$0x0], $0xffff;
	v59 =	vor.u32 v15, v23;
	[tilespmem:v62+s26+$0x0] =	vst.idx.msk $0xffff, v44;
	v56 =	vor.u32 v14, v19  }
0x1cc: {  	v57 =	vor.u32 v15, v20;
	v60 =	vor.u32 v14, v24;
	[tilespmem:v48+s26+$0x0] =	vst.idx.msk $0xffff, v32;
	v31 =	vld.idx.msk [tilespmem:v63+s20+$0x0], $0xffff  }
0x1cd: {  	v61 =	vor.u32 v15, v25;
	v62 =	vor.u32 v14, v26;
	v21 =	vld.idx.msk [tilespmem:v49+s20+$0x0], $0xffff;
	[tilespmem:v51+s26+$0x0] =	vst.idx.msk $0xffff, v50  }
0x1ce: {  	v46 =	vor.u32 v14, v28;
	[tilespmem:v53+s26+$0x0] =	vst.idx.msk $0xffff, v52;
	v63 =	vor.u32 v15, v27;
	v34 =	vld.idx.msk [tilespmem:v54+s20+$0x0], $0xffff  }
0x1cf: {  	v47 =	vor.u32 v15, v18;
	v48 =	vor.u32 v15, v29;
	v36 =	vld.idx.msk [tilespmem:v55+s20+$0x0], $0xffff;
	[tilespmem:v58+s26+$0x0] =	vst.idx.msk $0xffff, v42  }
0x1d0: {  	v52 =	vor.u32 v15, v22;
	v17 =	vor.u32 v16, v17;
	[tilespmem:v56+s26+$0x0] =	vst.idx.msk $0xffff, v39;
	v51 =	vld.idx.msk [tilespmem:v59+s20+$0x0], $0xffff  }
0x1d1: {  	v53 =	vor.u32 v16, v23;
	v49 =	vor.u32 v15, v19;
	[tilespmem:v60+s26+$0x0] =	vst.idx.msk $0xffff, v31;
	v39 =	vld.idx.msk [tilespmem:v57+s20+$0x0], $0xffff  }
0x1d2: {  	v50 =	vor.u32 v16, v20;
	[tilespmem:v62+s26+$0x0] =	vst.idx.msk $0xffff, v21;
	v31 =	vld.idx.msk [tilespmem:v61+s20+$0x0], $0xffff;
	v54 =	vor.u32 v15, v24  }
0x1d3: {  	v55 =	vor.u32 v16, v25;
	v56 =	vld.idx.msk [tilespmem:v63+s20+$0x0], $0xffff;
	v57 =	vor.u32 v15, v26;
	[tilespmem:v46+s26+$0x0] =	vst.idx.msk $0xffff, v34  }
0x1d4: {  	v58 =	vor.u32 v16, v27;
	v60 =	vor.u32 v15, v28;
	[tilespmem:v47+s26+$0x0] =	vst.idx.msk $0xffff, v36;
	v59 =	vld.idx.msk [tilespmem:v48+s20+$0x0], $0xffff  }
0x1d5: {  	v18 =	vor.u32 v16, v18;
	v29 =	vor.u32 v16, v29;
	v17 =	vld.idx.msk [tilespmem:v17+s20+$0x0], $0xffff;
	[tilespmem:v52+s26+$0x0] =	vst.idx.msk $0xffff, v51  }
0x1d6: {  	v61 =	vor.u32 v16, v22;
	[tilespmem:v49+s26+$0x0] =	vst.idx.msk $0xffff, v39;
	v23 =	vld.idx.msk [tilespmem:v53+s20+$0x0], $0xffff  }
0x1d7: {  	v19 =	vor.u32 v16, v19;
	[tilespmem:v54+s26+$0x0] =	vst.idx.msk $0xffff, v31;
	v20 =	vld.idx.msk [tilespmem:v50+s20+$0x0], $0xffff  }
0x1d8: {  	v62 =	vor.u32 v16, v24;
	[tilespmem:v57+s26+$0x0] =	vst.idx.msk $0xffff, v56;
	v21 =	vld.idx.msk [tilespmem:v55+s20+$0x0], $0xffff  }
0x1d9: {  	v63 =	vor.u32 v16, v26;
	v25 =	vld.idx.msk [tilespmem:v58+s20+$0x0], $0xffff;
	[tilespmem:v60+s26+$0x0] =	vst.idx.msk $0xffff, v59  }
0x1da: {  	[tilespmem:v18+s26+$0x0] =	vst.idx.msk $0xffff, v17;
	v18 =	vor.u32 v16, v28;
	v17 =	vld.idx.msk [tilespmem:v29+s20+$0x0], $0xffff  }
0x1db: {  	[tilespmem:v61+s26+$0x0] =	vst.idx.msk $0xffff, v23  }
.Ltmp4:
0x1dc: {  	[tilespmem:v19+s26+$0x0] =	vst.idx.msk $0xffff, v20;
	(pc) =	sbr.rel @p1 .LBB2_8-.Ltmp4, $4  }
0x1dd: {  	[tilespmem:v62+s26+$0x0] =	vst.idx.msk $0xffff, v21  }
0x1de: {  	s2 =	sand.u32 $0xFFFF800, s2;
	[tilespmem:v63+s26+$0x0] =	vst.idx.msk $0xffff, v25  }
0x1df: {  	s2 =	sadd.s32 s3, s2;
	[tilespmem:v18+s26+$0x0] =	vst.idx.msk $0xffff, v17  }
0x1e0: {  	[hbm4b:s2+s4] =	stream.linear.scatter [tilespmem:s26], [sflag:$0x4], $0x4000, $0x38;
	[tilespmem:$0x18800] =	vst v63  }
0x1e1: {  	s0 =	sadd.s32 s0, s16  }
0x1e2: {  	s2 =	sshll.u32 s0, $0xB  }
0x1e3: {  	s2 =	sand.u32 $0xFFFF800, s2  }
0x1e4: {  	s8 =	sadd.s32 s1, s2  }
0x1e5: {  	[tilespmem:s20], [sflag:$0x2] =	stream.linear.gather [hbm4b:s8+s4], $0x4000, $0x38;
	[tilespmem:$0x18800] =	vst v63  }
.Ltmp5:
0x1e6: {  	s0 =	sshll.u32 s0, $0x7;
	(pc) =	sbr.rel .LBB2_2-.Ltmp5, $4  }
0x1e7: {  	s0 =	sand.u32 $0x1FFFFF80, s0;
	s2 =	sadd.s32 s5, s2  }
0x1e8: {  	[tilespmem:s21], [sflag:$0x2] =	stream.linear.gather [hbm4b:s2+s4], $0x4000, $0x38;
	[tilespmem:$0x18800] =	vst v63  }
0x1e9: {  	s31 =	sadd.s32 $0x1, s31;
	s0 =	sadd.s32 s6, s0  }
0x1ea: {  	[tilespmem:s22], [sflag:$0x2] =	stream.linear.gather [hbm4b:s0+s4], $0x400, $0x38;
	[tilespmem:$0x18800] =	vst v63  }
.LBB2_9:
0x1eb: {  	_ =	sfence.sel $0x180000  }
0x1ec: {  	[bflag:$0x0] =	sbarrier.arrive $0xFFFF  }
0x1ed: {  	_ =	strace $0x90000047  }
0x1ee: {  	s0 =	stileid.u32;
	[bflag:$0x2] =	sbarrier.arrive $0xFFFF  }
0x1ef: {  	p0 =	sne.s32 s0, $0x0;
	s0 =	rddreg [dreg:$0x3]  }
0x1f0: {  	s0 =	sadd.s32 @!p0 $0x100000, s0  }
0x1f1: {  	[sflag:s0] =	ssyncadd.tile.s32 @!p0 $0x1;
	_ =	shalt  }
.Lfunc_end2:
_tile_overlayer_lowered:
.L_overlay_start_2:
0x1f2: {  	(tag) =	ssettag $0x2  }
0x1f3: {  	s0 =	rddreg [dreg:$0x0];
	s2 =	stileid.u32  }
0x1f4: {  	s1 =	rddreg [dreg:$0x1];
	p0 =	sne.s32 s2, $0x0  }
0x1f5: {  	s3 =	rddreg [dreg:$0x2];
	[bflag:$0x3] =	sbarrier.arrive $0xFFFF;
	s2 =	simm.s32 @!p0 $0x1C05  }
0x1f6: {  	[timem:s3], [sflag:s2] =	dma.local @!p0 [hbm:s0], s1  }
0x1f7: {  	s0 =	simm.s32 @!p0 $0x5  }
0x1f8: {  	_ =	swait.ge @!p0 [sflag:s0], s1  }
0x1f9: {  	s1 =	ssub.s32 @!p0 $0x0, s1;
	[sflag:s0] =	ssyncset.done @!p0 $0x0  }
0x1fa: {  	[sflag:s0] =	ssyncadd.s32 @!p0 s1  }
0x1fb: {  	[bflag:$0x3] =	sbarrier.arrive $0xFFFF  }
0x1fc: {  	_ =	shalt  }

</sc_bundles>
